<compile_context>
chip_gen: v7x
topology: tpu7x:2x2x1
jax: 0.10.2.dev20260603
libtpu: 0.0.44.dev20260713+nightly
codegen_flags: <defaults>
</compile_context>

<pallas_src>
import jax
import jax.numpy as jnp
from jax import lax
from jax.experimental import pallas as pl
from jax.experimental.pallas import tpu as pltpu
from jax.experimental.pallas import tpu_sc as plsc

L = 16
NC, NS = 2, 16
NW = NC * NS
CHUNK = 80


def _dot_body(h_hbm, src_hbm, dst_hbm, out_hbm,
              h_sh, idx_u_all, idx_v_all, u0, u1, v0, v1, out_all, part,
              su0, su1, sv0, sv1):
    e_total = out_hbm.shape[0]
    d = h_hbm.shape[1]
    c = CHUNK
    epw = e_total // NW
    n_chunks = epw // c

    wid = lax.axis_index("s") * NC + lax.axis_index("c")
    wbase = wid * epw

    ubufs, vbufs = [u0, u1], [v0, v1]
    usems, vsems = [su0, su1], [sv0, sv1]

    cpu = pltpu.async_copy(src_hbm.at[pl.ds(wbase, epw)], idx_u_all, su0)
    cpv = pltpu.async_copy(dst_hbm.at[pl.ds(wbase, epw)], idx_v_all, sv0)

    @pl.when(lax.axis_index("s") == 0)
    def _():
        pltpu.sync_copy(h_hbm, h_sh)

    cpu.wait()
    cpv.wait()
    plsc.subcore_barrier()

    def issue(ci, b):
        pltpu.async_copy(
            h_sh.at[idx_u_all.at[pl.ds(ci * c, c)]], ubufs[b], usems[b])
        pltpu.async_copy(
            h_sh.at[idx_v_all.at[pl.ds(ci * c, c)]], vbufs[b], vsems[b])

    def wait(b):
        pltpu.make_async_copy(
            h_sh.at[idx_u_all.at[pl.ds(0, c)]], ubufs[b], usems[b]).wait()
        pltpu.make_async_copy(
            h_sh.at[idx_v_all.at[pl.ds(0, c)]], vbufs[b], vsems[b]).wait()

    nk = d // L
    unroll = 4

    def compute(ci, b):
        u_rows, v_rows = ubufs[b], vbufs[b]

        @plsc.parallel_loop(0, c, unroll=unroll)
        def _edge_body(e):
            prods = []
            for k in range(nk):
                uu = plsc.bitcast(u_rows[e, pl.ds(k * L, L)], jnp.bfloat16)
                vv = plsc.bitcast(v_rows[e, pl.ds(k * L, L)], jnp.bfloat16)
                prods.append(uu * vv)
            while len(prods) > 1:
                prods = [a + b2 for a, b2 in zip(prods[::2], prods[1::2])]
            p0, p1 = plsc.unpack(prods[0], format=plsc.PackFormat.INTERLEAVED)
            part[e, pl.ds(0, L)] = p0 + p1

        @plsc.parallel_loop(0, c // L, unroll=2)
        def _group_body(g):
            rows = g * L + lax.iota(jnp.int32, L)
            acc = jnp.zeros((L,), jnp.float32)
            for i in range(L):
                col = jnp.full((L,), i, jnp.int32)
                acc = acc + plsc.load_gather(part, [rows, col])
            out_all[pl.ds(ci * c + g * L, L)] = acc

    issue(0, 0)

    def pair_body(p, carry):
        for b in range(2):
            ci = p * 2 + b

            @pl.when(ci + 1 < n_chunks)
            def _():
                issue(ci + 1, 1 - b)

            wait(b)
            compute(ci, b)
        return carry

    lax.fori_loop(0, n_chunks // 2, pair_body, 0)
    if n_chunks % 2:
        wait(0)
        compute(n_chunks - 1, 0)

    pltpu.sync_copy(out_all, out_hbm.at[pl.ds(wbase, epw)])


def kernel(h, edge_index):
    e_total = edge_index.shape[1]
    d = h.shape[1]
    epw = e_total // NW
    src = edge_index[0].astype(jnp.int32)
    dst = edge_index[1].astype(jnp.int32)
    h = jax.lax.bitcast_convert_type(
        h.astype(jnp.bfloat16).reshape(h.shape[0], d // 2, 2), jnp.int32)

    sc_call = pl.kernel(
        _dot_body,
        out_type=jax.ShapeDtypeStruct((e_total,), jnp.float32),
        mesh=plsc.VectorSubcoreMesh(core_axis_name="c", subcore_axis_name="s"),
        scratch_types=[
            pltpu.VMEM_SHARED((h.shape[0], d // 2), jnp.int32),
            pltpu.VMEM((epw,), jnp.int32),
            pltpu.VMEM((epw,), jnp.int32),
            pltpu.VMEM((CHUNK, d // 2), jnp.int32),
            pltpu.VMEM((CHUNK, d // 2), jnp.int32),
            pltpu.VMEM((CHUNK, d // 2), jnp.int32),
            pltpu.VMEM((CHUNK, d // 2), jnp.int32),
            pltpu.VMEM((epw,), jnp.float32),
            pltpu.VMEM((CHUNK, 17), jnp.float32),
            pltpu.SemaphoreType.DMA,
            pltpu.SemaphoreType.DMA,
            pltpu.SemaphoreType.DMA,
            pltpu.SemaphoreType.DMA,
        ],
        compiler_params=pltpu.CompilerParams(
            needs_layout_passes=False, use_tc_tiling_on_sc=False),
    )
    out = sc_call(h, src, dst)
    return out.reshape(e_total, 1)

# --- scband reference (transcript-rebuilt; emitter-appended) ---
"""Pipeline reference for scband-graph-dot-product-decoder-25623774888164 (READ-ONLY COPY).

The authoritative reference and input builder live on the scoring server;
editing this copy changes nothing except your own understanding.
"""

import jax, jax.numpy as jnp
import numpy as np

N_NODES = 10000
N_EDGES = 320000
D_FEAT = 128

def setup_inputs(seed: int = 0) -> dict:
    key = jax.random.key(seed)
    k1, k2 = jax.random.split(key)
    h = jax.random.normal(k1, (N_NODES, D_FEAT), dtype=jnp.float32)
    edge_index = jax.random.randint(k2, (2, N_EDGES), 0, N_NODES, dtype=jnp.int64)
    return {"h": h, "edge_index": edge_index}

def reference(h, edge_index):
    # DGL apply_edges(fn.u_dot_v('h','h','out')):
    # for each edge (u, v): out = sum_i h_u[i] * h_v[i], shape (E, 1)
    src = edge_index[0]
    dst = edge_index[1]
    h_u = jnp.take(h, src, axis=0)  # gather (E, D)
    h_v = jnp.take(h, dst, axis=0)  # gather (E, D)
    out = jnp.sum(h_u * h_v, axis=-1, keepdims=True)  # (E, 1)
    return out

if __name__ == "__main__":
    import jax
    _d = setup_inputs()
    print(jax.jit(kernel)(*tuple(_d.values())))

</pallas_src>

<mosaic_0001>
#map = affine_map<(d0, d1) -> (0, 0)>
#map1 = affine_map<(d0, d1) -> (0)>
module attributes {stable_mosaic.version = 14 : i64} {
  func.func @_dot_body(%arg0: i32, %arg1: i32, %arg2: memref<10000x64xi32, #tpu.memory_space<hbm>>, %arg3: memref<320000xi32, #tpu.memory_space<hbm>>, %arg4: memref<320000xi32, #tpu.memory_space<hbm>>, %arg5: memref<320000xf32, #tpu.memory_space<hbm>>, %arg6: memref<10000x64xi32, #tpu.memory_space<vmem_shared>>, %arg7: memref<10000xi32, #tpu.memory_space<vmem>>, %arg8: memref<10000xi32, #tpu.memory_space<vmem>>, %arg9: memref<80x64xi32, #tpu.memory_space<vmem>>, %arg10: memref<80x64xi32, #tpu.memory_space<vmem>>, %arg11: memref<80x64xi32, #tpu.memory_space<vmem>>, %arg12: memref<80x64xi32, #tpu.memory_space<vmem>>, %arg13: memref<10000xf32, #tpu.memory_space<vmem>>, %arg14: memref<80x17xf32, #tpu.memory_space<vmem>>, %arg15: memref<!tpu.dma_semaphore, #tpu.memory_space<semaphore_mem>>, %arg16: memref<!tpu.dma_semaphore, #tpu.memory_space<semaphore_mem>>, %arg17: memref<!tpu.dma_semaphore, #tpu.memory_space<semaphore_mem>>, %arg18: memref<!tpu.dma_semaphore, #tpu.memory_space<semaphore_mem>>) attributes {dimension_semantics = [#tpu.dimension_semantics<core_parallel>, #tpu.dimension_semantics<subcore_parallel>], iteration_bounds = array<i64: 2, 16>, scalar_prefetch = 0 : i64, scratch_operands = 13 : i64, tpu.core_type = #tpu.core_type<sc_vector_subcore>, window_params = [{transform_indices = #map}, {transform_indices = #map1}, {transform_indices = #map1}, {transform_indices = #map1}]} {
    %mul3A = arith.constant 2 : i32
    %mul3A_0 = arith.muli %arg1, %mul3A : i32
    %add3A = arith.addi %mul3A_0, %arg0 : i32
    %mul3A_1 = arith.constant 10000 : i32
    %mul3A_2 = arith.muli %add3A, %mul3A_1 : i32
    %dma_start3A = tpu.memref_slice %arg3[%mul3A_2] : memref<320000xi32, #tpu.memory_space<hbm>> -> memref<10000xi32, #tpu.memory_space<hbm>>
    %dma_start3A_3 = tpu.memref_slice %arg3[%mul3A_2] : memref<320000xi32, #tpu.memory_space<hbm>> -> memref<10000xi32, #tpu.memory_space<hbm>>
    tpu.enqueue_dma source(%dma_start3A_3 : memref<10000xi32, #tpu.memory_space<hbm>>) target(%arg7 : memref<10000xi32, #tpu.memory_space<vmem>>) target_semaphore(%arg15 : memref<!tpu.dma_semaphore, #tpu.memory_space<semaphore_mem>>)
    %dma_start3A_4 = tpu.memref_slice %arg4[%mul3A_2] : memref<320000xi32, #tpu.memory_space<hbm>> -> memref<10000xi32, #tpu.memory_space<hbm>>
    %dma_start3A_5 = tpu.memref_slice %arg4[%mul3A_2] : memref<320000xi32, #tpu.memory_space<hbm>> -> memref<10000xi32, #tpu.memory_space<hbm>>
    tpu.enqueue_dma source(%dma_start3A_5 : memref<10000xi32, #tpu.memory_space<hbm>>) target(%arg8 : memref<10000xi32, #tpu.memory_space<vmem>>) target_semaphore(%arg17 : memref<!tpu.dma_semaphore, #tpu.memory_space<semaphore_mem>>)
    %eq3A = arith.constant 0 : i32
    %eq3A_6 = arith.cmpi eq, %arg1, %eq3A : i32
    %convert_element_type3A = arith.extui %eq3A_6 : i1 to i32
    %cond3A = arith.constant 0 : i32
    %cond3A_7 = arith.cmpi ne, %convert_element_type3A, %cond3A : i32
    scf.if %cond3A_7 {
      "tpu.region"() ({
        %run_scoped3A = tpu.sem_alloc : memref<!tpu.dma_semaphore, #tpu.memory_space<semaphore_mem>>
        tpu.enqueue_dma source(%arg2 : memref<10000x64xi32, #tpu.memory_space<hbm>>) target(%arg6 : memref<10000x64xi32, #tpu.memory_space<vmem_shared>>) target_semaphore(%run_scoped3A : memref<!tpu.dma_semaphore, #tpu.memory_space<semaphore_mem>>)
        tpu.wait_dma2 semaphore(%run_scoped3A : memref<!tpu.dma_semaphore, #tpu.memory_space<semaphore_mem>>) src(%arg2 : memref<10000x64xi32, #tpu.memory_space<hbm>>) dst(%arg6 : memref<10000x64xi32, #tpu.memory_space<vmem_shared>>)
        tpu.yield
      }) : () -> ()
    } else {
    }
    %dma_wait3A = tpu.memref_slice %arg3[%mul3A_2] : memref<320000xi32, #tpu.memory_space<hbm>> -> memref<10000xi32, #tpu.memory_space<hbm>>
    %dma_wait3A_8 = tpu.memref_slice %arg3[%mul3A_2] : memref<320000xi32, #tpu.memory_space<hbm>> -> memref<10000xi32, #tpu.memory_space<hbm>>
    tpu.wait_dma2 semaphore(%arg15 : memref<!tpu.dma_semaphore, #tpu.memory_space<semaphore_mem>>) src(%dma_wait3A_8 : memref<10000xi32, #tpu.memory_space<hbm>>) dst(%arg7 : memref<10000xi32, #tpu.memory_space<vmem>>)
    %dma_wait3A_9 = tpu.memref_slice %arg4[%mul3A_2] : memref<320000xi32, #tpu.memory_space<hbm>> -> memref<10000xi32, #tpu.memory_space<hbm>>
    %dma_wait3A_10 = tpu.memref_slice %arg4[%mul3A_2] : memref<320000xi32, #tpu.memory_space<hbm>> -> memref<10000xi32, #tpu.memory_space<hbm>>
    tpu.wait_dma2 semaphore(%arg17 : memref<!tpu.dma_semaphore, #tpu.memory_space<semaphore_mem>>) src(%dma_wait3A_10 : memref<10000xi32, #tpu.memory_space<hbm>>) dst(%arg8 : memref<10000xi32, #tpu.memory_space<vmem>>)
    %barrier3A = arith.constant 0 : index
    tpu.barrier barrier_id(%barrier3A)
    %dma_start3A_11 = arith.constant 0 : i32
    %dma_start3A_12 = tpu.memref_slice %arg7[%dma_start3A_11] : memref<10000xi32, #tpu.memory_space<vmem>> -> memref<80xi32, #tpu.memory_space<vmem>>
    %dma_start3A_13 = arith.constant 0 : i32
    %dma_start3A_14 = arith.constant 0 : i32
    %dma_start3A_15 = tpu.memref_slice %arg6[%dma_start3A_13, %dma_start3A_14] : memref<10000x64xi32, #tpu.memory_space<vmem_shared>> -> memref<10000x64xi32, #tpu.memory_space<vmem_shared>>
    tpu.enqueue_indirect_dma source(%dma_start3A_15 : memref<10000x64xi32, #tpu.memory_space<vmem_shared>>) target(%arg9 : memref<80x64xi32, #tpu.memory_space<vmem>>) offsets(%dma_start3A_12 : memref<80xi32, #tpu.memory_space<vmem>>) semaphore(%arg15 : memref<!tpu.dma_semaphore, #tpu.memory_space<semaphore_mem>>)
    %dma_start3A_16 = arith.constant 0 : i32
    %dma_start3A_17 = tpu.memref_slice %arg8[%dma_start3A_16] : memref<10000xi32, #tpu.memory_space<vmem>> -> memref<80xi32, #tpu.memory_space<vmem>>
    %dma_start3A_18 = arith.constant 0 : i32
    %dma_start3A_19 = arith.constant 0 : i32
    %dma_start3A_20 = tpu.memref_slice %arg6[%dma_start3A_18, %dma_start3A_19] : memref<10000x64xi32, #tpu.memory_space<vmem_shared>> -> memref<10000x64xi32, #tpu.memory_space<vmem_shared>>
    tpu.enqueue_indirect_dma source(%dma_start3A_20 : memref<10000x64xi32, #tpu.memory_space<vmem_shared>>) target(%arg11 : memref<80x64xi32, #tpu.memory_space<vmem>>) offsets(%dma_start3A_17 : memref<80xi32, #tpu.memory_space<vmem>>) semaphore(%arg17 : memref<!tpu.dma_semaphore, #tpu.memory_space<semaphore_mem>>)
    %scan3A = arith.constant 0 : i32
    %scan3A_21 = arith.constant 0 : i32
    %scan3A_22 = arith.constant 62 : i32
    %scan3A_23 = arith.addi %scan3A_21, %scan3A_22 : i32
    %scan3A_24 = arith.constant 1 : i32
    scf.for %scan3A_41 = %scan3A_21 to %scan3A_23 step %scan3A_24  : i32 {
      %mul3A_42 = arith.constant 2 : i32
      %mul3A_43 = arith.muli %scan3A_41, %mul3A_42 : i32
      %add3A_44 = arith.constant 0 : i32
      %add3A_45 = arith.addi %mul3A_43, %add3A_44 : i32
      %add3A_46 = arith.constant 1 : i32
      %add3A_47 = arith.addi %add3A_45, %add3A_46 : i32
      %lt3A = arith.constant 125 : i32
      %lt3A_48 = arith.cmpi slt, %add3A_47, %lt3A : i32
      %convert_element_type3A_49 = arith.extui %lt3A_48 : i1 to i32
      %cond3A_50 = arith.constant 0 : i32
      %cond3A_51 = arith.cmpi ne, %convert_element_type3A_49, %cond3A_50 : i32
      scf.if %cond3A_51 {
        %add3A_95 = arith.constant 1 : i32
        %add3A_96 = arith.addi %add3A_45, %add3A_95 : i32
        %mul3A_97 = arith.constant 80 : i32
        %mul3A_98 = arith.muli %add3A_96, %mul3A_97 : i32
        %dma_start3A_99 = tpu.memref_slice %arg7[%mul3A_98] : memref<10000xi32, #tpu.memory_space<vmem>> -> memref<80xi32, #tpu.memory_space<vmem>>
        %dma_start3A_100 = arith.constant 0 : i32
        %dma_start3A_101 = arith.constant 0 : i32
        %dma_start3A_102 = tpu.memref_slice %arg6[%dma_start3A_100, %dma_start3A_101] : memref<10000x64xi32, #tpu.memory_space<vmem_shared>> -> memref<10000x64xi32, #tpu.memory_space<vmem_shared>>
        tpu.enqueue_indirect_dma source(%dma_start3A_102 : memref<10000x64xi32, #tpu.memory_space<vmem_shared>>) target(%arg10 : memref<80x64xi32, #tpu.memory_space<vmem>>) offsets(%dma_start3A_99 : memref<80xi32, #tpu.memory_space<vmem>>) semaphore(%arg16 : memref<!tpu.dma_semaphore, #tpu.memory_space<semaphore_mem>>)
        %mul3A_103 = arith.constant 80 : i32
        %mul3A_104 = arith.muli %add3A_96, %mul3A_103 : i32
        %dma_start3A_105 = tpu.memref_slice %arg8[%mul3A_104] : memref<10000xi32, #tpu.memory_space<vmem>> -> memref<80xi32, #tpu.memory_space<vmem>>
        %dma_start3A_106 = arith.constant 0 : i32
        %dma_start3A_107 = arith.constant 0 : i32
        %dma_start3A_108 = tpu.memref_slice %arg6[%dma_start3A_106, %dma_start3A_107] : memref<10000x64xi32, #tpu.memory_space<vmem_shared>> -> memref<10000x64xi32, #tpu.memory_space<vmem_shared>>
        tpu.enqueue_indirect_dma source(%dma_start3A_108 : memref<10000x64xi32, #tpu.memory_space<vmem_shared>>) target(%arg12 : memref<80x64xi32, #tpu.memory_space<vmem>>) offsets(%dma_start3A_105 : memref<80xi32, #tpu.memory_space<vmem>>) semaphore(%arg18 : memref<!tpu.dma_semaphore, #tpu.memory_space<semaphore_mem>>)
      } else {
      }
      %dma_wait3A_52 = arith.constant 0 : i32
      %dma_wait3A_53 = tpu.memref_slice %arg7[%dma_wait3A_52] : memref<10000xi32, #tpu.memory_space<vmem>> -> memref<80xi32, #tpu.memory_space<vmem>>
      %dma_wait3A_54 = arith.constant 0 : i32
      %dma_wait3A_55 = arith.constant 0 : i32
      %dma_wait3A_56 = tpu.memref_slice %arg6[%dma_wait3A_54, %dma_wait3A_55] : memref<10000x64xi32, #tpu.memory_space<vmem_shared>> -> memref<10000x64xi32, #tpu.memory_space<vmem_shared>>
      tpu.wait_indirect_dma semaphore(%arg15 : memref<!tpu.dma_semaphore, #tpu.memory_space<semaphore_mem>>) src(%dma_wait3A_56 : memref<10000x64xi32, #tpu.memory_space<vmem_shared>>) dst(%arg9 : memref<80x64xi32, #tpu.memory_space<vmem>>)
      %dma_wait3A_57 = arith.constant 0 : i32
      %dma_wait3A_58 = tpu.memref_slice %arg8[%dma_wait3A_57] : memref<10000xi32, #tpu.memory_space<vmem>> -> memref<80xi32, #tpu.memory_space<vmem>>
      %dma_wait3A_59 = arith.constant 0 : i32
      %dma_wait3A_60 = arith.constant 0 : i32
      %dma_wait3A_61 = tpu.memref_slice %arg6[%dma_wait3A_59, %dma_wait3A_60] : memref<10000x64xi32, #tpu.memory_space<vmem_shared>> -> memref<10000x64xi32, #tpu.memory_space<vmem_shared>>
      tpu.wait_indirect_dma semaphore(%arg17 : memref<!tpu.dma_semaphore, #tpu.memory_space<semaphore_mem>>) src(%dma_wait3A_61 : memref<10000x64xi32, #tpu.memory_space<vmem_shared>>) dst(%arg11 : memref<80x64xi32, #tpu.memory_space<vmem>>)
      %parallel_loop3A_62 = arith.constant 0 : i32
      %parallel_loop3A_63 = arith.constant 80 : i32
      %parallel_loop3A_64 = arith.constant 1 : i32
      scf.for %parallel_loop3A_95 = %parallel_loop3A_62 to %parallel_loop3A_63 step %parallel_loop3A_64  : i32 {
        %parallel_loop3A_96 = arith.index_cast %parallel_loop3A_95 : i32 to index
        %parallel_loop3A_97 = arith.constant 0 : index
        %parallel_loop3A_98 = tpu.vector_load %arg9[%parallel_loop3A_96, %parallel_loop3A_97] {strides = array<i32>} : memref<80x64xi32, #tpu.memory_space<vmem>>, vector<16xi32>,
        %parallel_loop3A_99 = vector.bitcast %parallel_loop3A_98 : vector<16xi32> to vector<32xbf16>
        %parallel_loop3A_100 = arith.index_cast %parallel_loop3A_95 : i32 to index
        %parallel_loop3A_101 = arith.constant 0 : index
        %parallel_loop3A_102 = tpu.vector_load %arg11[%parallel_loop3A_100, %parallel_loop3A_101] {strides = array<i32>} : memref<80x64xi32, #tpu.memory_space<vmem>>, vector<16xi32>,
        %parallel_loop3A_103 = vector.bitcast %parallel_loop3A_102 : vector<16xi32> to vector<32xbf16>
        %parallel_loop3A_104 = arith.mulf %parallel_loop3A_99, %parallel_loop3A_103 : vector<32xbf16>
        %parallel_loop3A_105 = arith.index_cast %parallel_loop3A_95 : i32 to index
        %parallel_loop3A_106 = arith.constant 16 : index
        %parallel_loop3A_107 = tpu.vector_load %arg9[%parallel_loop3A_105, %parallel_loop3A_106] {strides = array<i32>} : memref<80x64xi32, #tpu.memory_space<vmem>>, vector<16xi32>,
        %parallel_loop3A_108 = vector.bitcast %parallel_loop3A_107 : vector<16xi32> to vector<32xbf16>
        %parallel_loop3A_109 = arith.index_cast %parallel_loop3A_95 : i32 to index
        %parallel_loop3A_110 = arith.constant 16 : index
        %parallel_loop3A_111 = tpu.vector_load %arg11[%parallel_loop3A_109, %parallel_loop3A_110] {strides = array<i32>} : memref<80x64xi32, #tpu.memory_space<vmem>>, vector<16xi32>,
        %parallel_loop3A_112 = vector.bitcast %parallel_loop3A_111 : vector<16xi32> to vector<32xbf16>
        %parallel_loop3A_113 = arith.mulf %parallel_loop3A_108, %parallel_loop3A_112 : vector<32xbf16>
        %parallel_loop3A_114 = arith.index_cast %parallel_loop3A_95 : i32 to index
        %parallel_loop3A_115 = arith.constant 32 : index
        %parallel_loop3A_116 = tpu.vector_load %arg9[%parallel_loop3A_114, %parallel_loop3A_115] {strides = array<i32>} : memref<80x64xi32, #tpu.memory_space<vmem>>, vector<16xi32>,
        %parallel_loop3A_117 = vector.bitcast %parallel_loop3A_116 : vector<16xi32> to vector<32xbf16>
        %parallel_loop3A_118 = arith.index_cast %parallel_loop3A_95 : i32 to index
        %parallel_loop3A_119 = arith.constant 32 : index
        %parallel_loop3A_120 = tpu.vector_load %arg11[%parallel_loop3A_118, %parallel_loop3A_119] {strides = array<i32>} : memref<80x64xi32, #tpu.memory_space<vmem>>, vector<16xi32>,
        %parallel_loop3A_121 = vector.bitcast %parallel_loop3A_120 : vector<16xi32> to vector<32xbf16>
        %parallel_loop3A_122 = arith.mulf %parallel_loop3A_117, %parallel_loop3A_121 : vector<32xbf16>
        %parallel_loop3A_123 = arith.index_cast %parallel_loop3A_95 : i32 to index
        %parallel_loop3A_124 = arith.constant 48 : index
        %parallel_loop3A_125 = tpu.vector_load %arg9[%parallel_loop3A_123, %parallel_loop3A_124] {strides = array<i32>} : memref<80x64xi32, #tpu.memory_space<vmem>>, vector<16xi32>,
        %parallel_loop3A_126 = vector.bitcast %parallel_loop3A_125 : vector<16xi32> to vector<32xbf16>
        %parallel_loop3A_127 = arith.index_cast %parallel_loop3A_95 : i32 to index
        %parallel_loop3A_128 = arith.constant 48 : index
        %parallel_loop3A_129 = tpu.vector_load %arg11[%parallel_loop3A_127, %parallel_loop3A_128] {strides = array<i32>} : memref<80x64xi32, #tpu.memory_space<vmem>>, vector<16xi32>,
        %parallel_loop3A_130 = vector.bitcast %parallel_loop3A_129 : vector<16xi32> to vector<32xbf16>
        %parallel_loop3A_131 = arith.mulf %parallel_loop3A_126, %parallel_loop3A_130 : vector<32xbf16>
        %parallel_loop3A_132 = arith.addf %parallel_loop3A_104, %parallel_loop3A_113 : vector<32xbf16>
        %parallel_loop3A_133 = arith.addf %parallel_loop3A_122, %parallel_loop3A_131 : vector<32xbf16>
        %parallel_loop3A_134 = arith.addf %parallel_loop3A_132, %parallel_loop3A_133 : vector<32xbf16>
        %parallel_loop3A_135 = tpu.unpack_subelements %parallel_loop3A_134, 0 {pack_format = #tpu.pack_format<interleaved>} : vector<32xbf16> -> vector<16xf32>
        %parallel_loop3A_136 = tpu.unpack_subelements %parallel_loop3A_134, 1 {pack_format = #tpu.pack_format<interleaved>} : vector<32xbf16> -> vector<16xf32>
        %parallel_loop3A_137 = arith.addf %parallel_loop3A_135, %parallel_loop3A_136 : vector<16xf32>
        %parallel_loop3A_138 = arith.index_cast %parallel_loop3A_95 : i32 to index
        %parallel_loop3A_139 = arith.constant 0 : index
        %parallel_loop3A_140 = tpu.vector_load %arg14[%parallel_loop3A_138, %parallel_loop3A_139] {strides = array<i32>} : memref<80x17xf32, #tpu.memory_space<vmem>>, vector<16xf32>,
        tpu.vector_store %arg14[%parallel_loop3A_138, %parallel_loop3A_139], %parallel_loop3A_137 {strides = array<i32>} : memref<80x17xf32, #tpu.memory_space<vmem>>, vector<16xf32>,
      } {sc.loop_unroll_factor = 4 : i64, sc.parallel_access}
      %parallel_loop3A_65 = arith.constant 0 : i32
      %parallel_loop3A_66 = arith.constant 5 : i32
      %parallel_loop3A_67 = arith.constant 1 : i32
      scf.for %parallel_loop3A_95 = %parallel_loop3A_65 to %parallel_loop3A_66 step %parallel_loop3A_67  : i32 {
        %parallel_loop3A_96 = arith.constant 16 : i32
        %parallel_loop3A_97 = arith.muli %parallel_loop3A_95, %parallel_loop3A_96 : i32
        %parallel_loop3A_98 = tpu.iota {dimensions = array<i32: 0>} : vector<16xi32>
        %parallel_loop3A_99 = vector.broadcast %parallel_loop3A_97 : i32 to vector<16xi32>
        %parallel_loop3A_100 = arith.addi %parallel_loop3A_99, %parallel_loop3A_98 : vector<16xi32>
        %parallel_loop3A_101 = arith.constant 0.000000e+00 : f32
        %parallel_loop3A_102 = vector.broadcast %parallel_loop3A_101 : f32 to vector<16xf32>
        %parallel_loop3A_103 = arith.constant 0 : i32
        %parallel_loop3A_104 = vector.broadcast %parallel_loop3A_103 : i32 to vector<16xi32>
        %parallel_loop3A_105 = tpu.vector_load_idx %arg14[%parallel_loop3A_100, %parallel_loop3A_104] : memref<80x17xf32, #tpu.memory_space<vmem>>[vector<16xi32>, vector<16xi32>], vector<16xf32>,
        %parallel_loop3A_106 = arith.addf %parallel_loop3A_102, %parallel_loop3A_105 : vector<16xf32>
        %parallel_loop3A_107 = arith.constant 1 : i32
        %parallel_loop3A_108 = vector.broadcast %parallel_loop3A_107 : i32 to vector<16xi32>
        %parallel_loop3A_109 = tpu.vector_load_idx %arg14[%parallel_loop3A_100, %parallel_loop3A_108] : memref<80x17xf32, #tpu.memory_space<vmem>>[vector<16xi32>, vector<16xi32>], vector<16xf32>,
        %parallel_loop3A_110 = arith.addf %parallel_loop3A_106, %parallel_loop3A_109 : vector<16xf32>
        %parallel_loop3A_111 = arith.constant 2 : i32
        %parallel_loop3A_112 = vector.broadcast %parallel_loop3A_111 : i32 to vector<16xi32>
        %parallel_loop3A_113 = tpu.vector_load_idx %arg14[%parallel_loop3A_100, %parallel_loop3A_112] : memref<80x17xf32, #tpu.memory_space<vmem>>[vector<16xi32>, vector<16xi32>], vector<16xf32>,
        %parallel_loop3A_114 = arith.addf %parallel_loop3A_110, %parallel_loop3A_113 : vector<16xf32>
        %parallel_loop3A_115 = arith.constant 3 : i32
        %parallel_loop3A_116 = vector.broadcast %parallel_loop3A_115 : i32 to vector<16xi32>
        %parallel_loop3A_117 = tpu.vector_load_idx %arg14[%parallel_loop3A_100, %parallel_loop3A_116] : memref<80x17xf32, #tpu.memory_space<vmem>>[vector<16xi32>, vector<16xi32>], vector<16xf32>,
        %parallel_loop3A_118 = arith.addf %parallel_loop3A_114, %parallel_loop3A_117 : vector<16xf32>
        %parallel_loop3A_119 = arith.constant 4 : i32
        %parallel_loop3A_120 = vector.broadcast %parallel_loop3A_119 : i32 to vector<16xi32>
        %parallel_loop3A_121 = tpu.vector_load_idx %arg14[%parallel_loop3A_100, %parallel_loop3A_120] : memref<80x17xf32, #tpu.memory_space<vmem>>[vector<16xi32>, vector<16xi32>], vector<16xf32>,
        %parallel_loop3A_122 = arith.addf %parallel_loop3A_118, %parallel_loop3A_121 : vector<16xf32>
        %parallel_loop3A_123 = arith.constant 5 : i32
        %parallel_loop3A_124 = vector.broadcast %parallel_loop3A_123 : i32 to vector<16xi32>
        %parallel_loop3A_125 = tpu.vector_load_idx %arg14[%parallel_loop3A_100, %parallel_loop3A_124] : memref<80x17xf32, #tpu.memory_space<vmem>>[vector<16xi32>, vector<16xi32>], vector<16xf32>,
        %parallel_loop3A_126 = arith.addf %parallel_loop3A_122, %parallel_loop3A_125 : vector<16xf32>
        %parallel_loop3A_127 = arith.constant 6 : i32
        %parallel_loop3A_128 = vector.broadcast %parallel_loop3A_127 : i32 to vector<16xi32>
        %parallel_loop3A_129 = tpu.vector_load_idx %arg14[%parallel_loop3A_100, %parallel_loop3A_128] : memref<80x17xf32, #tpu.memory_space<vmem>>[vector<16xi32>, vector<16xi32>], vector<16xf32>,
        %parallel_loop3A_130 = arith.addf %parallel_loop3A_126, %parallel_loop3A_129 : vector<16xf32>
        %parallel_loop3A_131 = arith.constant 7 : i32
        %parallel_loop3A_132 = vector.broadcast %parallel_loop3A_131 : i32 to vector<16xi32>
        %parallel_loop3A_133 = tpu.vector_load_idx %arg14[%parallel_loop3A_100, %parallel_loop3A_132] : memref<80x17xf32, #tpu.memory_space<vmem>>[vector<16xi32>, vector<16xi32>], vector<16xf32>,
        %parallel_loop3A_134 = arith.addf %parallel_loop3A_130, %parallel_loop3A_133 : vector<16xf32>
        %parallel_loop3A_135 = arith.constant 8 : i32
        %parallel_loop3A_136 = vector.broadcast %parallel_loop3A_135 : i32 to vector<16xi32>
        %parallel_loop3A_137 = tpu.vector_load_idx %arg14[%parallel_loop3A_100, %parallel_loop3A_136] : memref<80x17xf32, #tpu.memory_space<vmem>>[vector<16xi32>, vector<16xi32>], vector<16xf32>,
        %parallel_loop3A_138 = arith.addf %parallel_loop3A_134, %parallel_loop3A_137 : vector<16xf32>
        %parallel_loop3A_139 = arith.constant 9 : i32
        %parallel_loop3A_140 = vector.broadcast %parallel_loop3A_139 : i32 to vector<16xi32>
        %parallel_loop3A_141 = tpu.vector_load_idx %arg14[%parallel_loop3A_100, %parallel_loop3A_140] : memref<80x17xf32, #tpu.memory_space<vmem>>[vector<16xi32>, vector<16xi32>], vector<16xf32>,
        %parallel_loop3A_142 = arith.addf %parallel_loop3A_138, %parallel_loop3A_141 : vector<16xf32>
        %parallel_loop3A_143 = arith.constant 10 : i32
        %parallel_loop3A_144 = vector.broadcast %parallel_loop3A_143 : i32 to vector<16xi32>
        %parallel_loop3A_145 = tpu.vector_load_idx %arg14[%parallel_loop3A_100, %parallel_loop3A_144] : memref<80x17xf32, #tpu.memory_space<vmem>>[vector<16xi32>, vector<16xi32>], vector<16xf32>,
        %parallel_loop3A_146 = arith.addf %parallel_loop3A_142, %parallel_loop3A_145 : vector<16xf32>
        %parallel_loop3A_147 = arith.constant 11 : i32
        %parallel_loop3A_148 = vector.broadcast %parallel_loop3A_147 : i32 to vector<16xi32>
        %parallel_loop3A_149 = tpu.vector_load_idx %arg14[%parallel_loop3A_100, %parallel_loop3A_148] : memref<80x17xf32, #tpu.memory_space<vmem>>[vector<16xi32>, vector<16xi32>], vector<16xf32>,
        %parallel_loop3A_150 = arith.addf %parallel_loop3A_146, %parallel_loop3A_149 : vector<16xf32>
        %parallel_loop3A_151 = arith.constant 12 : i32
        %parallel_loop3A_152 = vector.broadcast %parallel_loop3A_151 : i32 to vector<16xi32>
        %parallel_loop3A_153 = tpu.vector_load_idx %arg14[%parallel_loop3A_100, %parallel_loop3A_152] : memref<80x17xf32, #tpu.memory_space<vmem>>[vector<16xi32>, vector<16xi32>], vector<16xf32>,
        %parallel_loop3A_154 = arith.addf %parallel_loop3A_150, %parallel_loop3A_153 : vector<16xf32>
        %parallel_loop3A_155 = arith.constant 13 : i32
        %parallel_loop3A_156 = vector.broadcast %parallel_loop3A_155 : i32 to vector<16xi32>
        %parallel_loop3A_157 = tpu.vector_load_idx %arg14[%parallel_loop3A_100, %parallel_loop3A_156] : memref<80x17xf32, #tpu.memory_space<vmem>>[vector<16xi32>, vector<16xi32>], vector<16xf32>,
        %parallel_loop3A_158 = arith.addf %parallel_loop3A_154, %parallel_loop3A_157 : vector<16xf32>
        %parallel_loop3A_159 = arith.constant 14 : i32
        %parallel_loop3A_160 = vector.broadcast %parallel_loop3A_159 : i32 to vector<16xi32>
        %parallel_loop3A_161 = tpu.vector_load_idx %arg14[%parallel_loop3A_100, %parallel_loop3A_160] : memref<80x17xf32, #tpu.memory_space<vmem>>[vector<16xi32>, vector<16xi32>], vector<16xf32>,
        %parallel_loop3A_162 = arith.addf %parallel_loop3A_158, %parallel_loop3A_161 : vector<16xf32>
        %parallel_loop3A_163 = arith.constant 15 : i32
        %parallel_loop3A_164 = vector.broadcast %parallel_loop3A_163 : i32 to vector<16xi32>
        %parallel_loop3A_165 = tpu.vector_load_idx %arg14[%parallel_loop3A_100, %parallel_loop3A_164] : memref<80x17xf32, #tpu.memory_space<vmem>>[vector<16xi32>, vector<16xi32>], vector<16xf32>,
        %parallel_loop3A_166 = arith.addf %parallel_loop3A_162, %parallel_loop3A_165 : vector<16xf32>
        %parallel_loop3A_167 = arith.constant 80 : i32
        %parallel_loop3A_168 = arith.muli %add3A_45, %parallel_loop3A_167 : i32
        %parallel_loop3A_169 = arith.constant 16 : i32
        %parallel_loop3A_170 = arith.muli %parallel_loop3A_95, %parallel_loop3A_169 : i32
        %parallel_loop3A_171 = arith.addi %parallel_loop3A_168, %parallel_loop3A_170 : i32
        %parallel_loop3A_172 = arith.index_cast %parallel_loop3A_171 : i32 to index
        %parallel_loop3A_173 = tpu.vector_load %arg13[%parallel_loop3A_172] {strides = array<i32>} : memref<10000xf32, #tpu.memory_space<vmem>>, vector<16xf32>,
        tpu.vector_store %arg13[%parallel_loop3A_172], %parallel_loop3A_166 {strides = array<i32>} : memref<10000xf32, #tpu.memory_space<vmem>>, vector<16xf32>,
      } {sc.loop_unroll_factor = 2 : i64, sc.parallel_access}
      %mul3A_68 = arith.constant 2 : i32
      %mul3A_69 = arith.muli %scan3A_41, %mul3A_68 : i32
      %add3A_70 = arith.constant 1 : i32
      %add3A_71 = arith.addi %mul3A_69, %add3A_70 : i32
      %add3A_72 = arith.constant 1 : i32
      %add3A_73 = arith.addi %add3A_71, %add3A_72 : i32
      %lt3A_74 = arith.constant 125 : i32
      %lt3A_75 = arith.cmpi slt, %add3A_73, %lt3A_74 : i32
      %convert_element_type3A_76 = arith.extui %lt3A_75 : i1 to i32
      %cond3A_77 = arith.constant 0 : i32
      %cond3A_78 = arith.cmpi ne, %convert_element_type3A_76, %cond3A_77 : i32
      scf.if %cond3A_78 {
        %add3A_95 = arith.constant 1 : i32
        %add3A_96 = arith.addi %add3A_71, %add3A_95 : i32
        %mul3A_97 = arith.constant 80 : i32
        %mul3A_98 = arith.muli %add3A_96, %mul3A_97 : i32
        %dma_start3A_99 = tpu.memref_slice %arg7[%mul3A_98] : memref<10000xi32, #tpu.memory_space<vmem>> -> memref<80xi32, #tpu.memory_space<vmem>>
        %dma_start3A_100 = arith.constant 0 : i32
        %dma_start3A_101 = arith.constant 0 : i32
        %dma_start3A_102 = tpu.memref_slice %arg6[%dma_start3A_100, %dma_start3A_101] : memref<10000x64xi32, #tpu.memory_space<vmem_shared>> -> memref<10000x64xi32, #tpu.memory_space<vmem_shared>>
        tpu.enqueue_indirect_dma source(%dma_start3A_102 : memref<10000x64xi32, #tpu.memory_space<vmem_shared>>) target(%arg9 : memref<80x64xi32, #tpu.memory_space<vmem>>) offsets(%dma_start3A_99 : memref<80xi32, #tpu.memory_space<vmem>>) semaphore(%arg15 : memref<!tpu.dma_semaphore, #tpu.memory_space<semaphore_mem>>)
        %mul3A_103 = arith.constant 80 : i32
        %mul3A_104 = arith.muli %add3A_96, %mul3A_103 : i32
        %dma_start3A_105 = tpu.memref_slice %arg8[%mul3A_104] : memref<10000xi32, #tpu.memory_space<vmem>> -> memref<80xi32, #tpu.memory_space<vmem>>
        %dma_start3A_106 = arith.constant 0 : i32
        %dma_start3A_107 = arith.constant 0 : i32
        %dma_start3A_108 = tpu.memref_slice %arg6[%dma_start3A_106, %dma_start3A_107] : memref<10000x64xi32, #tpu.memory_space<vmem_shared>> -> memref<10000x64xi32, #tpu.memory_space<vmem_shared>>
        tpu.enqueue_indirect_dma source(%dma_start3A_108 : memref<10000x64xi32, #tpu.memory_space<vmem_shared>>) target(%arg11 : memref<80x64xi32, #tpu.memory_space<vmem>>) offsets(%dma_start3A_105 : memref<80xi32, #tpu.memory_space<vmem>>) semaphore(%arg17 : memref<!tpu.dma_semaphore, #tpu.memory_space<semaphore_mem>>)
      } else {
      }
      %dma_wait3A_79 = arith.constant 0 : i32
      %dma_wait3A_80 = tpu.memref_slice %arg7[%dma_wait3A_79] : memref<10000xi32, #tpu.memory_space<vmem>> -> memref<80xi32, #tpu.memory_space<vmem>>
      %dma_wait3A_81 = arith.constant 0 : i32
      %dma_wait3A_82 = arith.constant 0 : i32
      %dma_wait3A_83 = tpu.memref_slice %arg6[%dma_wait3A_81, %dma_wait3A_82] : memref<10000x64xi32, #tpu.memory_space<vmem_shared>> -> memref<10000x64xi32, #tpu.memory_space<vmem_shared>>
      tpu.wait_indirect_dma semaphore(%arg16 : memref<!tpu.dma_semaphore, #tpu.memory_space<semaphore_mem>>) src(%dma_wait3A_83 : memref<10000x64xi32, #tpu.memory_space<vmem_shared>>) dst(%arg10 : memref<80x64xi32, #tpu.memory_space<vmem>>)
      %dma_wait3A_84 = arith.constant 0 : i32
      %dma_wait3A_85 = tpu.memref_slice %arg8[%dma_wait3A_84] : memref<10000xi32, #tpu.memory_space<vmem>> -> memref<80xi32, #tpu.memory_space<vmem>>
      %dma_wait3A_86 = arith.constant 0 : i32
      %dma_wait3A_87 = arith.constant 0 : i32
      %dma_wait3A_88 = tpu.memref_slice %arg6[%dma_wait3A_86, %dma_wait3A_87] : memref<10000x64xi32, #tpu.memory_space<vmem_shared>> -> memref<10000x64xi32, #tpu.memory_space<vmem_shared>>
      tpu.wait_indirect_dma semaphore(%arg18 : memref<!tpu.dma_semaphore, #tpu.memory_space<semaphore_mem>>) src(%dma_wait3A_88 : memref<10000x64xi32, #tpu.memory_space<vmem_shared>>) dst(%arg12 : memref<80x64xi32, #tpu.memory_space<vmem>>)
      %parallel_loop3A_89 = arith.constant 0 : i32
      %parallel_loop3A_90 = arith.constant 80 : i32
      %parallel_loop3A_91 = arith.constant 1 : i32
      scf.for %parallel_loop3A_95 = %parallel_loop3A_89 to %parallel_loop3A_90 step %parallel_loop3A_91  : i32 {
        %parallel_loop3A_96 = arith.index_cast %parallel_loop3A_95 : i32 to index
        %parallel_loop3A_97 = arith.constant 0 : index
        %parallel_loop3A_98 = tpu.vector_load %arg10[%parallel_loop3A_96, %parallel_loop3A_97] {strides = array<i32>} : memref<80x64xi32, #tpu.memory_space<vmem>>, vector<16xi32>,
        %parallel_loop3A_99 = vector.bitcast %parallel_loop3A_98 : vector<16xi32> to vector<32xbf16>
        %parallel_loop3A_100 = arith.index_cast %parallel_loop3A_95 : i32 to index
        %parallel_loop3A_101 = arith.constant 0 : index
        %parallel_loop3A_102 = tpu.vector_load %arg12[%parallel_loop3A_100, %parallel_loop3A_101] {strides = array<i32>} : memref<80x64xi32, #tpu.memory_space<vmem>>, vector<16xi32>,
        %parallel_loop3A_103 = vector.bitcast %parallel_loop3A_102 : vector<16xi32> to vector<32xbf16>
        %parallel_loop3A_104 = arith.mulf %parallel_loop3A_99, %parallel_loop3A_103 : vector<32xbf16>
        %parallel_loop3A_105 = arith.index_cast %parallel_loop3A_95 : i32 to index
        %parallel_loop3A_106 = arith.constant 16 : index
        %parallel_loop3A_107 = tpu.vector_load %arg10[%parallel_loop3A_105, %parallel_loop3A_106] {strides = array<i32>} : memref<80x64xi32, #tpu.memory_space<vmem>>, vector<16xi32>,
        %parallel_loop3A_108 = vector.bitcast %parallel_loop3A_107 : vector<16xi32> to vector<32xbf16>
        %parallel_loop3A_109 = arith.index_cast %parallel_loop3A_95 : i32 to index
        %parallel_loop3A_110 = arith.constant 16 : index
        %parallel_loop3A_111 = tpu.vector_load %arg12[%parallel_loop3A_109, %parallel_loop3A_110] {strides = array<i32>} : memref<80x64xi32, #tpu.memory_space<vmem>>, vector<16xi32>,
        %parallel_loop3A_112 = vector.bitcast %parallel_loop3A_111 : vector<16xi32> to vector<32xbf16>
        %parallel_loop3A_113 = arith.mulf %parallel_loop3A_108, %parallel_loop3A_112 : vector<32xbf16>
        %parallel_loop3A_114 = arith.index_cast %parallel_loop3A_95 : i32 to index
        %parallel_loop3A_115 = arith.constant 32 : index
        %parallel_loop3A_116 = tpu.vector_load %arg10[%parallel_loop3A_114, %parallel_loop3A_115] {strides = array<i32>} : memref<80x64xi32, #tpu.memory_space<vmem>>, vector<16xi32>,
        %parallel_loop3A_117 = vector.bitcast %parallel_loop3A_116 : vector<16xi32> to vector<32xbf16>
        %parallel_loop3A_118 = arith.index_cast %parallel_loop3A_95 : i32 to index
        %parallel_loop3A_119 = arith.constant 32 : index
        %parallel_loop3A_120 = tpu.vector_load %arg12[%parallel_loop3A_118, %parallel_loop3A_119] {strides = array<i32>} : memref<80x64xi32, #tpu.memory_space<vmem>>, vector<16xi32>,
        %parallel_loop3A_121 = vector.bitcast %parallel_loop3A_120 : vector<16xi32> to vector<32xbf16>
        %parallel_loop3A_122 = arith.mulf %parallel_loop3A_117, %parallel_loop3A_121 : vector<32xbf16>
        %parallel_loop3A_123 = arith.index_cast %parallel_loop3A_95 : i32 to index
        %parallel_loop3A_124 = arith.constant 48 : index
        %parallel_loop3A_125 = tpu.vector_load %arg10[%parallel_loop3A_123, %parallel_loop3A_124] {strides = array<i32>} : memref<80x64xi32, #tpu.memory_space<vmem>>, vector<16xi32>,
        %parallel_loop3A_126 = vector.bitcast %parallel_loop3A_125 : vector<16xi32> to vector<32xbf16>
        %parallel_loop3A_127 = arith.index_cast %parallel_loop3A_95 : i32 to index
        %parallel_loop3A_128 = arith.constant 48 : index
        %parallel_loop3A_129 = tpu.vector_load %arg12[%parallel_loop3A_127, %parallel_loop3A_128] {strides = array<i32>} : memref<80x64xi32, #tpu.memory_space<vmem>>, vector<16xi32>,
        %parallel_loop3A_130 = vector.bitcast %parallel_loop3A_129 : vector<16xi32> to vector<32xbf16>
        %parallel_loop3A_131 = arith.mulf %parallel_loop3A_126, %parallel_loop3A_130 : vector<32xbf16>
        %parallel_loop3A_132 = arith.addf %parallel_loop3A_104, %parallel_loop3A_113 : vector<32xbf16>
        %parallel_loop3A_133 = arith.addf %parallel_loop3A_122, %parallel_loop3A_131 : vector<32xbf16>
        %parallel_loop3A_134 = arith.addf %parallel_loop3A_132, %parallel_loop3A_133 : vector<32xbf16>
        %parallel_loop3A_135 = tpu.unpack_subelements %parallel_loop3A_134, 0 {pack_format = #tpu.pack_format<interleaved>} : vector<32xbf16> -> vector<16xf32>
        %parallel_loop3A_136 = tpu.unpack_subelements %parallel_loop3A_134, 1 {pack_format = #tpu.pack_format<interleaved>} : vector<32xbf16> -> vector<16xf32>
        %parallel_loop3A_137 = arith.addf %parallel_loop3A_135, %parallel_loop3A_136 : vector<16xf32>
        %parallel_loop3A_138 = arith.index_cast %parallel_loop3A_95 : i32 to index
        %parallel_loop3A_139 = arith.constant 0 : index
        %parallel_loop3A_140 = tpu.vector_load %arg14[%parallel_loop3A_138, %parallel_loop3A_139] {strides = array<i32>} : memref<80x17xf32, #tpu.memory_space<vmem>>, vector<16xf32>,
        tpu.vector_store %arg14[%parallel_loop3A_138, %parallel_loop3A_139], %parallel_loop3A_137 {strides = array<i32>} : memref<80x17xf32, #tpu.memory_space<vmem>>, vector<16xf32>,
      } {sc.loop_unroll_factor = 4 : i64, sc.parallel_access}
      %parallel_loop3A_92 = arith.constant 0 : i32
      %parallel_loop3A_93 = arith.constant 5 : i32
      %parallel_loop3A_94 = arith.constant 1 : i32
      scf.for %parallel_loop3A_95 = %parallel_loop3A_92 to %parallel_loop3A_93 step %parallel_loop3A_94  : i32 {
        %parallel_loop3A_96 = arith.constant 16 : i32
        %parallel_loop3A_97 = arith.muli %parallel_loop3A_95, %parallel_loop3A_96 : i32
        %parallel_loop3A_98 = tpu.iota {dimensions = array<i32: 0>} : vector<16xi32>
        %parallel_loop3A_99 = vector.broadcast %parallel_loop3A_97 : i32 to vector<16xi32>
        %parallel_loop3A_100 = arith.addi %parallel_loop3A_99, %parallel_loop3A_98 : vector<16xi32>
        %parallel_loop3A_101 = arith.constant 0.000000e+00 : f32
        %parallel_loop3A_102 = vector.broadcast %parallel_loop3A_101 : f32 to vector<16xf32>
        %parallel_loop3A_103 = arith.constant 0 : i32
        %parallel_loop3A_104 = vector.broadcast %parallel_loop3A_103 : i32 to vector<16xi32>
        %parallel_loop3A_105 = tpu.vector_load_idx %arg14[%parallel_loop3A_100, %parallel_loop3A_104] : memref<80x17xf32, #tpu.memory_space<vmem>>[vector<16xi32>, vector<16xi32>], vector<16xf32>,
        %parallel_loop3A_106 = arith.addf %parallel_loop3A_102, %parallel_loop3A_105 : vector<16xf32>
        %parallel_loop3A_107 = arith.constant 1 : i32
        %parallel_loop3A_108 = vector.broadcast %parallel_loop3A_107 : i32 to vector<16xi32>
        %parallel_loop3A_109 = tpu.vector_load_idx %arg14[%parallel_loop3A_100, %parallel_loop3A_108] : memref<80x17xf32, #tpu.memory_space<vmem>>[vector<16xi32>, vector<16xi32>], vector<16xf32>,
        %parallel_loop3A_110 = arith.addf %parallel_loop3A_106, %parallel_loop3A_109 : vector<16xf32>
        %parallel_loop3A_111 = arith.constant 2 : i32
        %parallel_loop3A_112 = vector.broadcast %parallel_loop3A_111 : i32 to vector<16xi32>
        %parallel_loop3A_113 = tpu.vector_load_idx %arg14[%parallel_loop3A_100, %parallel_loop3A_112] : memref<80x17xf32, #tpu.memory_space<vmem>>[vector<16xi32>, vector<16xi32>], vector<16xf32>,
        %parallel_loop3A_114 = arith.addf %parallel_loop3A_110, %parallel_loop3A_113 : vector<16xf32>
        %parallel_loop3A_115 = arith.constant 3 : i32
        %parallel_loop3A_116 = vector.broadcast %parallel_loop3A_115 : i32 to vector<16xi32>
        %parallel_loop3A_117 = tpu.vector_load_idx %arg14[%parallel_loop3A_100, %parallel_loop3A_116] : memref<80x17xf32, #tpu.memory_space<vmem>>[vector<16xi32>, vector<16xi32>], vector<16xf32>,
        %parallel_loop3A_118 = arith.addf %parallel_loop3A_114, %parallel_loop3A_117 : vector<16xf32>
        %parallel_loop3A_119 = arith.constant 4 : i32
        %parallel_loop3A_120 = vector.broadcast %parallel_loop3A_119 : i32 to vector<16xi32>
        %parallel_loop3A_121 = tpu.vector_load_idx %arg14[%parallel_loop3A_100, %parallel_loop3A_120] : memref<80x17xf32, #tpu.memory_space<vmem>>[vector<16xi32>, vector<16xi32>], vector<16xf32>,
        %parallel_loop3A_122 = arith.addf %parallel_loop3A_118, %parallel_loop3A_121 : vector<16xf32>
        %parallel_loop3A_123 = arith.constant 5 : i32
        %parallel_loop3A_124 = vector.broadcast %parallel_loop3A_123 : i32 to vector<16xi32>
        %parallel_loop3A_125 = tpu.vector_load_idx %arg14[%parallel_loop3A_100, %parallel_loop3A_124] : memref<80x17xf32, #tpu.memory_space<vmem>>[vector<16xi32>, vector<16xi32>], vector<16xf32>,
        %parallel_loop3A_126 = arith.addf %parallel_loop3A_122, %parallel_loop3A_125 : vector<16xf32>
        %parallel_loop3A_127 = arith.constant 6 : i32
        %parallel_loop3A_128 = vector.broadcast %parallel_loop3A_127 : i32 to vector<16xi32>
        %parallel_loop3A_129 = tpu.vector_load_idx %arg14[%parallel_loop3A_100, %parallel_loop3A_128] : memref<80x17xf32, #tpu.memory_space<vmem>>[vector<16xi32>, vector<16xi32>], vector<16xf32>,
        %parallel_loop3A_130 = arith.addf %parallel_loop3A_126, %parallel_loop3A_129 : vector<16xf32>
        %parallel_loop3A_131 = arith.constant 7 : i32
        %parallel_loop3A_132 = vector.broadcast %parallel_loop3A_131 : i32 to vector<16xi32>
        %parallel_loop3A_133 = tpu.vector_load_idx %arg14[%parallel_loop3A_100, %parallel_loop3A_132] : memref<80x17xf32, #tpu.memory_space<vmem>>[vector<16xi32>, vector<16xi32>], vector<16xf32>,
        %parallel_loop3A_134 = arith.addf %parallel_loop3A_130, %parallel_loop3A_133 : vector<16xf32>
        %parallel_loop3A_135 = arith.constant 8 : i32
        %parallel_loop3A_136 = vector.broadcast %parallel_loop3A_135 : i32 to vector<16xi32>
        %parallel_loop3A_137 = tpu.vector_load_idx %arg14[%parallel_loop3A_100, %parallel_loop3A_136] : memref<80x17xf32, #tpu.memory_space<vmem>>[vector<16xi32>, vector<16xi32>], vector<16xf32>,
        %parallel_loop3A_138 = arith.addf %parallel_loop3A_134, %parallel_loop3A_137 : vector<16xf32>
        %parallel_loop3A_139 = arith.constant 9 : i32
        %parallel_loop3A_140 = vector.broadcast %parallel_loop3A_139 : i32 to vector<16xi32>
        %parallel_loop3A_141 = tpu.vector_load_idx %arg14[%parallel_loop3A_100, %parallel_loop3A_140] : memref<80x17xf32, #tpu.memory_space<vmem>>[vector<16xi32>, vector<16xi32>], vector<16xf32>,
        %parallel_loop3A_142 = arith.addf %parallel_loop3A_138, %parallel_loop3A_141 : vector<16xf32>
        %parallel_loop3A_143 = arith.constant 10 : i32
        %parallel_loop3A_144 = vector.broadcast %parallel_loop3A_143 : i32 to vector<16xi32>
        %parallel_loop3A_145 = tpu.vector_load_idx %arg14[%parallel_loop3A_100, %parallel_loop3A_144] : memref<80x17xf32, #tpu.memory_space<vmem>>[vector<16xi32>, vector<16xi32>], vector<16xf32>,
        %parallel_loop3A_146 = arith.addf %parallel_loop3A_142, %parallel_loop3A_145 : vector<16xf32>
        %parallel_loop3A_147 = arith.constant 11 : i32
        %parallel_loop3A_148 = vector.broadcast %parallel_loop3A_147 : i32 to vector<16xi32>
        %parallel_loop3A_149 = tpu.vector_load_idx %arg14[%parallel_loop3A_100, %parallel_loop3A_148] : memref<80x17xf32, #tpu.memory_space<vmem>>[vector<16xi32>, vector<16xi32>], vector<16xf32>,
        %parallel_loop3A_150 = arith.addf %parallel_loop3A_146, %parallel_loop3A_149 : vector<16xf32>
        %parallel_loop3A_151 = arith.constant 12 : i32
        %parallel_loop3A_152 = vector.broadcast %parallel_loop3A_151 : i32 to vector<16xi32>
        %parallel_loop3A_153 = tpu.vector_load_idx %arg14[%parallel_loop3A_100, %parallel_loop3A_152] : memref<80x17xf32, #tpu.memory_space<vmem>>[vector<16xi32>, vector<16xi32>], vector<16xf32>,
        %parallel_loop3A_154 = arith.addf %parallel_loop3A_150, %parallel_loop3A_153 : vector<16xf32>
        %parallel_loop3A_155 = arith.constant 13 : i32
        %parallel_loop3A_156 = vector.broadcast %parallel_loop3A_155 : i32 to vector<16xi32>
        %parallel_loop3A_157 = tpu.vector_load_idx %arg14[%parallel_loop3A_100, %parallel_loop3A_156] : memref<80x17xf32, #tpu.memory_space<vmem>>[vector<16xi32>, vector<16xi32>], vector<16xf32>,
        %parallel_loop3A_158 = arith.addf %parallel_loop3A_154, %parallel_loop3A_157 : vector<16xf32>
        %parallel_loop3A_159 = arith.constant 14 : i32
        %parallel_loop3A_160 = vector.broadcast %parallel_loop3A_159 : i32 to vector<16xi32>
        %parallel_loop3A_161 = tpu.vector_load_idx %arg14[%parallel_loop3A_100, %parallel_loop3A_160] : memref<80x17xf32, #tpu.memory_space<vmem>>[vector<16xi32>, vector<16xi32>], vector<16xf32>,
        %parallel_loop3A_162 = arith.addf %parallel_loop3A_158, %parallel_loop3A_161 : vector<16xf32>
        %parallel_loop3A_163 = arith.constant 15 : i32
        %parallel_loop3A_164 = vector.broadcast %parallel_loop3A_163 : i32 to vector<16xi32>
        %parallel_loop3A_165 = tpu.vector_load_idx %arg14[%parallel_loop3A_100, %parallel_loop3A_164] : memref<80x17xf32, #tpu.memory_space<vmem>>[vector<16xi32>, vector<16xi32>], vector<16xf32>,
        %parallel_loop3A_166 = arith.addf %parallel_loop3A_162, %parallel_loop3A_165 : vector<16xf32>
        %parallel_loop3A_167 = arith.constant 80 : i32
        %parallel_loop3A_168 = arith.muli %add3A_71, %parallel_loop3A_167 : i32
        %parallel_loop3A_169 = arith.constant 16 : i32
        %parallel_loop3A_170 = arith.muli %parallel_loop3A_95, %parallel_loop3A_169 : i32
        %parallel_loop3A_171 = arith.addi %parallel_loop3A_168, %parallel_loop3A_170 : i32
        %parallel_loop3A_172 = arith.index_cast %parallel_loop3A_171 : i32 to index
        %parallel_loop3A_173 = tpu.vector_load %arg13[%parallel_loop3A_172] {strides = array<i32>} : memref<10000xf32, #tpu.memory_space<vmem>>, vector<16xf32>,
        tpu.vector_store %arg13[%parallel_loop3A_172], %parallel_loop3A_166 {strides = array<i32>} : memref<10000xf32, #tpu.memory_space<vmem>>, vector<16xf32>,
      } {sc.loop_unroll_factor = 2 : i64, sc.parallel_access}
    }
    %scan3A_25 = arith.constant 62 : i32
    %dma_wait3A_26 = arith.constant 0 : i32
    %dma_wait3A_27 = tpu.memref_slice %arg7[%dma_wait3A_26] : memref<10000xi32, #tpu.memory_space<vmem>> -> memref<80xi32, #tpu.memory_space<vmem>>
    %dma_wait3A_28 = arith.constant 0 : i32
    %dma_wait3A_29 = arith.constant 0 : i32
    %dma_wait3A_30 = tpu.memref_slice %arg6[%dma_wait3A_28, %dma_wait3A_29] : memref<10000x64xi32, #tpu.memory_space<vmem_shared>> -> memref<10000x64xi32, #tpu.memory_space<vmem_shared>>
    tpu.wait_indirect_dma semaphore(%arg15 : memref<!tpu.dma_semaphore, #tpu.memory_space<semaphore_mem>>) src(%dma_wait3A_30 : memref<10000x64xi32, #tpu.memory_space<vmem_shared>>) dst(%arg9 : memref<80x64xi32, #tpu.memory_space<vmem>>)
    %dma_wait3A_31 = arith.constant 0 : i32
    %dma_wait3A_32 = tpu.memref_slice %arg8[%dma_wait3A_31] : memref<10000xi32, #tpu.memory_space<vmem>> -> memref<80xi32, #tpu.memory_space<vmem>>
    %dma_wait3A_33 = arith.constant 0 : i32
    %dma_wait3A_34 = arith.constant 0 : i32
    %dma_wait3A_35 = tpu.memref_slice %arg6[%dma_wait3A_33, %dma_wait3A_34] : memref<10000x64xi32, #tpu.memory_space<vmem_shared>> -> memref<10000x64xi32, #tpu.memory_space<vmem_shared>>
    tpu.wait_indirect_dma semaphore(%arg17 : memref<!tpu.dma_semaphore, #tpu.memory_space<semaphore_mem>>) src(%dma_wait3A_35 : memref<10000x64xi32, #tpu.memory_space<vmem_shared>>) dst(%arg11 : memref<80x64xi32, #tpu.memory_space<vmem>>)
    %parallel_loop3A = arith.constant 0 : i32
    %parallel_loop3A_36 = arith.constant 80 : i32
    %parallel_loop3A_37 = arith.constant 1 : i32
    scf.for %parallel_loop3A_41 = %parallel_loop3A to %parallel_loop3A_36 step %parallel_loop3A_37  : i32 {
      %parallel_loop3A_42 = arith.index_cast %parallel_loop3A_41 : i32 to index
      %parallel_loop3A_43 = arith.constant 0 : index
      %parallel_loop3A_44 = tpu.vector_load %arg9[%parallel_loop3A_42, %parallel_loop3A_43] {strides = array<i32>} : memref<80x64xi32, #tpu.memory_space<vmem>>, vector<16xi32>,
      %parallel_loop3A_45 = vector.bitcast %parallel_loop3A_44 : vector<16xi32> to vector<32xbf16>
      %parallel_loop3A_46 = arith.index_cast %parallel_loop3A_41 : i32 to index
      %parallel_loop3A_47 = arith.constant 0 : index
      %parallel_loop3A_48 = tpu.vector_load %arg11[%parallel_loop3A_46, %parallel_loop3A_47] {strides = array<i32>} : memref<80x64xi32, #tpu.memory_space<vmem>>, vector<16xi32>,
      %parallel_loop3A_49 = vector.bitcast %parallel_loop3A_48 : vector<16xi32> to vector<32xbf16>
      %parallel_loop3A_50 = arith.mulf %parallel_loop3A_45, %parallel_loop3A_49 : vector<32xbf16>
      %parallel_loop3A_51 = arith.index_cast %parallel_loop3A_41 : i32 to index
      %parallel_loop3A_52 = arith.constant 16 : index
      %parallel_loop3A_53 = tpu.vector_load %arg9[%parallel_loop3A_51, %parallel_loop3A_52] {strides = array<i32>} : memref<80x64xi32, #tpu.memory_space<vmem>>, vector<16xi32>,
      %parallel_loop3A_54 = vector.bitcast %parallel_loop3A_53 : vector<16xi32> to vector<32xbf16>
      %parallel_loop3A_55 = arith.index_cast %parallel_loop3A_41 : i32 to index
      %parallel_loop3A_56 = arith.constant 16 : index
      %parallel_loop3A_57 = tpu.vector_load %arg11[%parallel_loop3A_55, %parallel_loop3A_56] {strides = array<i32>} : memref<80x64xi32, #tpu.memory_space<vmem>>, vector<16xi32>,
      %parallel_loop3A_58 = vector.bitcast %parallel_loop3A_57 : vector<16xi32> to vector<32xbf16>
      %parallel_loop3A_59 = arith.mulf %parallel_loop3A_54, %parallel_loop3A_58 : vector<32xbf16>
      %parallel_loop3A_60 = arith.index_cast %parallel_loop3A_41 : i32 to index
      %parallel_loop3A_61 = arith.constant 32 : index
      %parallel_loop3A_62 = tpu.vector_load %arg9[%parallel_loop3A_60, %parallel_loop3A_61] {strides = array<i32>} : memref<80x64xi32, #tpu.memory_space<vmem>>, vector<16xi32>,
      %parallel_loop3A_63 = vector.bitcast %parallel_loop3A_62 : vector<16xi32> to vector<32xbf16>
      %parallel_loop3A_64 = arith.index_cast %parallel_loop3A_41 : i32 to index
      %parallel_loop3A_65 = arith.constant 32 : index
      %parallel_loop3A_66 = tpu.vector_load %arg11[%parallel_loop3A_64, %parallel_loop3A_65] {strides = array<i32>} : memref<80x64xi32, #tpu.memory_space<vmem>>, vector<16xi32>,
      %parallel_loop3A_67 = vector.bitcast %parallel_loop3A_66 : vector<16xi32> to vector<32xbf16>
      %parallel_loop3A_68 = arith.mulf %parallel_loop3A_63, %parallel_loop3A_67 : vector<32xbf16>
      %parallel_loop3A_69 = arith.index_cast %parallel_loop3A_41 : i32 to index
      %parallel_loop3A_70 = arith.constant 48 : index
      %parallel_loop3A_71 = tpu.vector_load %arg9[%parallel_loop3A_69, %parallel_loop3A_70] {strides = array<i32>} : memref<80x64xi32, #tpu.memory_space<vmem>>, vector<16xi32>,
      %parallel_loop3A_72 = vector.bitcast %parallel_loop3A_71 : vector<16xi32> to vector<32xbf16>
      %parallel_loop3A_73 = arith.index_cast %parallel_loop3A_41 : i32 to index
      %parallel_loop3A_74 = arith.constant 48 : index
      %parallel_loop3A_75 = tpu.vector_load %arg11[%parallel_loop3A_73, %parallel_loop3A_74] {strides = array<i32>} : memref<80x64xi32, #tpu.memory_space<vmem>>, vector<16xi32>,
      %parallel_loop3A_76 = vector.bitcast %parallel_loop3A_75 : vector<16xi32> to vector<32xbf16>
      %parallel_loop3A_77 = arith.mulf %parallel_loop3A_72, %parallel_loop3A_76 : vector<32xbf16>
      %parallel_loop3A_78 = arith.addf %parallel_loop3A_50, %parallel_loop3A_59 : vector<32xbf16>
      %parallel_loop3A_79 = arith.addf %parallel_loop3A_68, %parallel_loop3A_77 : vector<32xbf16>
      %parallel_loop3A_80 = arith.addf %parallel_loop3A_78, %parallel_loop3A_79 : vector<32xbf16>
      %parallel_loop3A_81 = tpu.unpack_subelements %parallel_loop3A_80, 0 {pack_format = #tpu.pack_format<interleaved>} : vector<32xbf16> -> vector<16xf32>
      %parallel_loop3A_82 = tpu.unpack_subelements %parallel_loop3A_80, 1 {pack_format = #tpu.pack_format<interleaved>} : vector<32xbf16> -> vector<16xf32>
      %parallel_loop3A_83 = arith.addf %parallel_loop3A_81, %parallel_loop3A_82 : vector<16xf32>
      %parallel_loop3A_84 = arith.index_cast %parallel_loop3A_41 : i32 to index
      %parallel_loop3A_85 = arith.constant 0 : index
      %parallel_loop3A_86 = tpu.vector_load %arg14[%parallel_loop3A_84, %parallel_loop3A_85] {strides = array<i32>} : memref<80x17xf32, #tpu.memory_space<vmem>>, vector<16xf32>,
      tpu.vector_store %arg14[%parallel_loop3A_84, %parallel_loop3A_85], %parallel_loop3A_83 {strides = array<i32>} : memref<80x17xf32, #tpu.memory_space<vmem>>, vector<16xf32>,
    } {sc.loop_unroll_factor = 4 : i64, sc.parallel_access}
    %parallel_loop3A_38 = arith.constant 0 : i32
    %parallel_loop3A_39 = arith.constant 5 : i32
    %parallel_loop3A_40 = arith.constant 1 : i32
    scf.for %parallel_loop3A_41 = %parallel_loop3A_38 to %parallel_loop3A_39 step %parallel_loop3A_40  : i32 {
      %parallel_loop3A_42 = arith.constant 16 : i32
      %parallel_loop3A_43 = arith.muli %parallel_loop3A_41, %parallel_loop3A_42 : i32
      %parallel_loop3A_44 = tpu.iota {dimensions = array<i32: 0>} : vector<16xi32>
      %parallel_loop3A_45 = vector.broadcast %parallel_loop3A_43 : i32 to vector<16xi32>
      %parallel_loop3A_46 = arith.addi %parallel_loop3A_45, %parallel_loop3A_44 : vector<16xi32>
      %parallel_loop3A_47 = arith.constant 0.000000e+00 : f32
      %parallel_loop3A_48 = vector.broadcast %parallel_loop3A_47 : f32 to vector<16xf32>
      %parallel_loop3A_49 = arith.constant 0 : i32
      %parallel_loop3A_50 = vector.broadcast %parallel_loop3A_49 : i32 to vector<16xi32>
      %parallel_loop3A_51 = tpu.vector_load_idx %arg14[%parallel_loop3A_46, %parallel_loop3A_50] : memref<80x17xf32, #tpu.memory_space<vmem>>[vector<16xi32>, vector<16xi32>], vector<16xf32>,
      %parallel_loop3A_52 = arith.addf %parallel_loop3A_48, %parallel_loop3A_51 : vector<16xf32>
      %parallel_loop3A_53 = arith.constant 1 : i32
      %parallel_loop3A_54 = vector.broadcast %parallel_loop3A_53 : i32 to vector<16xi32>
      %parallel_loop3A_55 = tpu.vector_load_idx %arg14[%parallel_loop3A_46, %parallel_loop3A_54] : memref<80x17xf32, #tpu.memory_space<vmem>>[vector<16xi32>, vector<16xi32>], vector<16xf32>,
      %parallel_loop3A_56 = arith.addf %parallel_loop3A_52, %parallel_loop3A_55 : vector<16xf32>
      %parallel_loop3A_57 = arith.constant 2 : i32
      %parallel_loop3A_58 = vector.broadcast %parallel_loop3A_57 : i32 to vector<16xi32>
      %parallel_loop3A_59 = tpu.vector_load_idx %arg14[%parallel_loop3A_46, %parallel_loop3A_58] : memref<80x17xf32, #tpu.memory_space<vmem>>[vector<16xi32>, vector<16xi32>], vector<16xf32>,
      %parallel_loop3A_60 = arith.addf %parallel_loop3A_56, %parallel_loop3A_59 : vector<16xf32>
      %parallel_loop3A_61 = arith.constant 3 : i32
      %parallel_loop3A_62 = vector.broadcast %parallel_loop3A_61 : i32 to vector<16xi32>
      %parallel_loop3A_63 = tpu.vector_load_idx %arg14[%parallel_loop3A_46, %parallel_loop3A_62] : memref<80x17xf32, #tpu.memory_space<vmem>>[vector<16xi32>, vector<16xi32>], vector<16xf32>,
      %parallel_loop3A_64 = arith.addf %parallel_loop3A_60, %parallel_loop3A_63 : vector<16xf32>
      %parallel_loop3A_65 = arith.constant 4 : i32
      %parallel_loop3A_66 = vector.broadcast %parallel_loop3A_65 : i32 to vector<16xi32>
      %parallel_loop3A_67 = tpu.vector_load_idx %arg14[%parallel_loop3A_46, %parallel_loop3A_66] : memref<80x17xf32, #tpu.memory_space<vmem>>[vector<16xi32>, vector<16xi32>], vector<16xf32>,
      %parallel_loop3A_68 = arith.addf %parallel_loop3A_64, %parallel_loop3A_67 : vector<16xf32>
      %parallel_loop3A_69 = arith.constant 5 : i32
      %parallel_loop3A_70 = vector.broadcast %parallel_loop3A_69 : i32 to vector<16xi32>
      %parallel_loop3A_71 = tpu.vector_load_idx %arg14[%parallel_loop3A_46, %parallel_loop3A_70] : memref<80x17xf32, #tpu.memory_space<vmem>>[vector<16xi32>, vector<16xi32>], vector<16xf32>,
      %parallel_loop3A_72 = arith.addf %parallel_loop3A_68, %parallel_loop3A_71 : vector<16xf32>
      %parallel_loop3A_73 = arith.constant 6 : i32
      %parallel_loop3A_74 = vector.broadcast %parallel_loop3A_73 : i32 to vector<16xi32>
      %parallel_loop3A_75 = tpu.vector_load_idx %arg14[%parallel_loop3A_46, %parallel_loop3A_74] : memref<80x17xf32, #tpu.memory_space<vmem>>[vector<16xi32>, vector<16xi32>], vector<16xf32>,
      %parallel_loop3A_76 = arith.addf %parallel_loop3A_72, %parallel_loop3A_75 : vector<16xf32>
      %parallel_loop3A_77 = arith.constant 7 : i32
      %parallel_loop3A_78 = vector.broadcast %parallel_loop3A_77 : i32 to vector<16xi32>
      %parallel_loop3A_79 = tpu.vector_load_idx %arg14[%parallel_loop3A_46, %parallel_loop3A_78] : memref<80x17xf32, #tpu.memory_space<vmem>>[vector<16xi32>, vector<16xi32>], vector<16xf32>,
      %parallel_loop3A_80 = arith.addf %parallel_loop3A_76, %parallel_loop3A_79 : vector<16xf32>
      %parallel_loop3A_81 = arith.constant 8 : i32
      %parallel_loop3A_82 = vector.broadcast %parallel_loop3A_81 : i32 to vector<16xi32>
      %parallel_loop3A_83 = tpu.vector_load_idx %arg14[%parallel_loop3A_46, %parallel_loop3A_82] : memref<80x17xf32, #tpu.memory_space<vmem>>[vector<16xi32>, vector<16xi32>], vector<16xf32>,
      %parallel_loop3A_84 = arith.addf %parallel_loop3A_80, %parallel_loop3A_83 : vector<16xf32>
      %parallel_loop3A_85 = arith.constant 9 : i32
      %parallel_loop3A_86 = vector.broadcast %parallel_loop3A_85 : i32 to vector<16xi32>
      %parallel_loop3A_87 = tpu.vector_load_idx %arg14[%parallel_loop3A_46, %parallel_loop3A_86] : memref<80x17xf32, #tpu.memory_space<vmem>>[vector<16xi32>, vector<16xi32>], vector<16xf32>,
      %parallel_loop3A_88 = arith.addf %parallel_loop3A_84, %parallel_loop3A_87 : vector<16xf32>
      %parallel_loop3A_89 = arith.constant 10 : i32
      %parallel_loop3A_90 = vector.broadcast %parallel_loop3A_89 : i32 to vector<16xi32>
      %parallel_loop3A_91 = tpu.vector_load_idx %arg14[%parallel_loop3A_46, %parallel_loop3A_90] : memref<80x17xf32, #tpu.memory_space<vmem>>[vector<16xi32>, vector<16xi32>], vector<16xf32>,
      %parallel_loop3A_92 = arith.addf %parallel_loop3A_88, %parallel_loop3A_91 : vector<16xf32>
      %parallel_loop3A_93 = arith.constant 11 : i32
      %parallel_loop3A_94 = vector.broadcast %parallel_loop3A_93 : i32 to vector<16xi32>
      %parallel_loop3A_95 = tpu.vector_load_idx %arg14[%parallel_loop3A_46, %parallel_loop3A_94] : memref<80x17xf32, #tpu.memory_space<vmem>>[vector<16xi32>, vector<16xi32>], vector<16xf32>,
      %parallel_loop3A_96 = arith.addf %parallel_loop3A_92, %parallel_loop3A_95 : vector<16xf32>
      %parallel_loop3A_97 = arith.constant 12 : i32
      %parallel_loop3A_98 = vector.broadcast %parallel_loop3A_97 : i32 to vector<16xi32>
      %parallel_loop3A_99 = tpu.vector_load_idx %arg14[%parallel_loop3A_46, %parallel_loop3A_98] : memref<80x17xf32, #tpu.memory_space<vmem>>[vector<16xi32>, vector<16xi32>], vector<16xf32>,
      %parallel_loop3A_100 = arith.addf %parallel_loop3A_96, %parallel_loop3A_99 : vector<16xf32>
      %parallel_loop3A_101 = arith.constant 13 : i32
      %parallel_loop3A_102 = vector.broadcast %parallel_loop3A_101 : i32 to vector<16xi32>
      %parallel_loop3A_103 = tpu.vector_load_idx %arg14[%parallel_loop3A_46, %parallel_loop3A_102] : memref<80x17xf32, #tpu.memory_space<vmem>>[vector<16xi32>, vector<16xi32>], vector<16xf32>,
      %parallel_loop3A_104 = arith.addf %parallel_loop3A_100, %parallel_loop3A_103 : vector<16xf32>
      %parallel_loop3A_105 = arith.constant 14 : i32
      %parallel_loop3A_106 = vector.broadcast %parallel_loop3A_105 : i32 to vector<16xi32>
      %parallel_loop3A_107 = tpu.vector_load_idx %arg14[%parallel_loop3A_46, %parallel_loop3A_106] : memref<80x17xf32, #tpu.memory_space<vmem>>[vector<16xi32>, vector<16xi32>], vector<16xf32>,
      %parallel_loop3A_108 = arith.addf %parallel_loop3A_104, %parallel_loop3A_107 : vector<16xf32>
      %parallel_loop3A_109 = arith.constant 15 : i32
      %parallel_loop3A_110 = vector.broadcast %parallel_loop3A_109 : i32 to vector<16xi32>
      %parallel_loop3A_111 = tpu.vector_load_idx %arg14[%parallel_loop3A_46, %parallel_loop3A_110] : memref<80x17xf32, #tpu.memory_space<vmem>>[vector<16xi32>, vector<16xi32>], vector<16xf32>,
      %parallel_loop3A_112 = arith.addf %parallel_loop3A_108, %parallel_loop3A_111 : vector<16xf32>
      %parallel_loop3A_113 = arith.constant 16 : i32
      %parallel_loop3A_114 = arith.muli %parallel_loop3A_41, %parallel_loop3A_113 : i32
      %parallel_loop3A_115 = arith.constant 9920 : i32
      %parallel_loop3A_116 = arith.addi %parallel_loop3A_115, %parallel_loop3A_114 : i32
      %parallel_loop3A_117 = arith.index_cast %parallel_loop3A_116 : i32 to index
      %parallel_loop3A_118 = tpu.vector_load %arg13[%parallel_loop3A_117] {strides = array<i32>} : memref<10000xf32, #tpu.memory_space<vmem>>, vector<16xf32>,
      tpu.vector_store %arg13[%parallel_loop3A_117], %parallel_loop3A_112 {strides = array<i32>} : memref<10000xf32, #tpu.memory_space<vmem>>, vector<16xf32>,
    } {sc.loop_unroll_factor = 2 : i64, sc.parallel_access}
    "tpu.region"() ({
      %run_scoped3A = tpu.sem_alloc : memref<!tpu.dma_semaphore, #tpu.memory_space<semaphore_mem>>
      %dma_start3A_41 = tpu.memref_slice %arg5[%mul3A_2] : memref<320000xf32, #tpu.memory_space<hbm>> -> memref<10000xf32, #tpu.memory_space<hbm>>
      %dma_start3A_42 = tpu.memref_slice %arg5[%mul3A_2] : memref<320000xf32, #tpu.memory_space<hbm>> -> memref<10000xf32, #tpu.memory_space<hbm>>
      tpu.enqueue_dma source(%arg13 : memref<10000xf32, #tpu.memory_space<vmem>>) target(%dma_start3A_42 : memref<10000xf32, #tpu.memory_space<hbm>>) target_semaphore(%run_scoped3A : memref<!tpu.dma_semaphore, #tpu.memory_space<semaphore_mem>>)
      %dma_wait3A_43 = tpu.memref_slice %arg5[%mul3A_2] : memref<320000xf32, #tpu.memory_space<hbm>> -> memref<10000xf32, #tpu.memory_space<hbm>>
      %dma_wait3A_44 = tpu.memref_slice %arg5[%mul3A_2] : memref<320000xf32, #tpu.memory_space<hbm>> -> memref<10000xf32, #tpu.memory_space<hbm>>
      tpu.wait_dma2 semaphore(%run_scoped3A : memref<!tpu.dma_semaphore, #tpu.memory_space<semaphore_mem>>) src(%arg13 : memref<10000xf32, #tpu.memory_space<vmem>>) dst(%dma_wait3A_44 : memref<10000xf32, #tpu.memory_space<hbm>>)
      tpu.yield
    }) : () -> ()
    return
  }
}

</mosaic_0001>

<sc_bundles>
// kernel: kernel.3.cloned.1.call-start
scs
__scs_entry_jumppad:
0x0: {  	(pc) =	sbr.rel $0x88, $3  }
0x1: {  	(tag) =	ssettag $0x0;
	lr =	simm.s32 $0x1  }
0x2: {  	[smem:$0x3F9F] =	sst lr;
	_ =	strace $0xD0000000  }
0x3: {  	_ = 	snop  }
0x4: {  	_ = 	snop  }
0x5: {  	_ = 	snop  }
0x6: {  	_ = 	snop  }
0x7: {  	_ = 	snop  }
__scs_overlays_trampoline_lowered:
0x8: {  	[smem:$0x3FAE] =	sst s0  }
0x9: {  	[smem:$0x3FAF] =	sst s1  }
0xa: {  	[smem:$0x3FB0] =	sst s2  }
0xb: {  	[smem:$0x3FB1] =	sst s3  }
0xc: {  	[smem:$0x3FB2] =	sst s4  }
0xd: {  	[smem:$0x3FB3] =	sst s5  }
0xe: {  	[smem:$0x3FB4] =	sst s6  }
0xf: {  	[smem:$0x3FB5] =	sst s7  }
0x10: {  	[smem:$0x3FB6] =	sst s8  }
0x11: {  	[smem:$0x3FB7] =	sst s9;
	s0 =	simm.s32 @!p0 $0x0  }
0x12: {  	s1 =	sld [smem:$0x3F9D];
	s0 =	simm.s32 @p0 $0x1  }
0x13: {  	[smem:$0x3FB8] =	sst s0;
	s0 =	simm.s32 @!p1 $0x0  }
0x14: {  	s2 =	sld [smem:$0x3F9C];
	s0 =	simm.s32 @p1 $0x1  }
0x15: {  	[smem:$0x3FB9] =	sst s0;
	s0 =	simm.s32 @!p2 $0x0  }
0x16: {  	s3 =	sld [smem:$0x3FDB];
	s0 =	simm.s32 @p2 $0x1  }
0x17: {  	s4 =	simm.s32 $0x1BF5;
	[smem:$0x3FBB] =	sst s0  }
0x18: {  	s0 =	sld [smem:$0x3F9E];
	_ =	swait.ge [sflag:s4], $0x0  }
0x19: {  	s7 =	sld [smem:$0x3F9F]  }
0x1a: {  	s8 =	sadd.s32 $0xFFFFE003, lr  }
0x1b: {  	s9 =	sadd.s32 $0xFFFFFEF7, lr;
	s5 =	simm.s32 $0xFFFFFFFF;
	p2 =	slt.u32 s8, $0xFFFFF086  }
0x1c: {  	p1 =	slt.u32 s9, $0xF7A;
	s5 =	simm.s32 @!p2 $0x0  }
0x1d: {  	s5 =	simm.s32 @p1 $0x1;
	p0 =	seq.s32 s7, s2  }
0x1e: {  	s7 =	smul.u32 @!p0 $0xF7A, s2;
	p2 =	seq.s32 @!p0 s5, $0x0  }
0x1f: {  	s9 =	smul.u32 $0xF7A, s1;
	s8 =	simm.s32 @!p0 $0x1BF5;
	p2 =	por !p2, p0  }
0x20: {  	[sflag:s8] =	ssyncset.s32 @!p0 $0xFFFFF086;
	s6 =	sadd.s32 @!p0 s3, s7;
	s7 =	simm.s32 @!p0 $0x108  }
0x21: {  	s3 =	sadd.s32 s3, s9;
	s6 =	sadd.s32 @!p0 $0x88, s6;
	s7 =	simm.s32 @p2 $0x1082  }
0x22: {  	[simem:s7], [sflag:s8] =	dma.local @!p0 [hbm:s6], $0xF7A  }
0x23: {  	s9 =	sor.u32 $0xD0000000, s2;
	s6 =	simm.s32 $0x108;
	_ =	swait.ge @!p0 [sflag:s8], $0x0  }
0x24: {  	s3 =	sadd.s32 $0x88, s3;
	s6 =	simm.s32 @!p1 $0x1082;
	[sflag:s4] =	ssyncset.s32 $0xFFFFF086  }
0x25: {  	[simem:s6], [sflag:s4] =	dma.local [hbm:s3], $0xF7A  }
0x26: {  	[smem:$0x3F9F] =	sst s1;
	(tag) =	ssettag s2;
	_ =	strace s9  }
0x27: {  	s1 =	sld [smem:$0x3FAF]  }
0x28: {  	s2 =	sld [smem:$0x3FB0]  }
0x29: {  	s4 =	sld [smem:$0x3FB2]  }
0x2a: {  	p0 =	seq.s32 s5, $0x0;
	s5 =	sld [smem:$0x3FB3]  }
0x2b: {  	s6 =	sld [smem:$0x3FB4]  }
0x2c: {  	s7 =	sld [smem:$0x3FB5]  }
0x2d: {  	s3 =	simm.s32 $0x108;
	s8 =	sld [smem:$0x3FB6]  }
0x2e: {  	s3 =	simm.s32 @!p0 $0x1082;
	s9 =	sld [smem:$0x3FB7]  }
0x2f: {  	lr =	sadd.s32 s0, s3;
	s0 =	sld [smem:$0x3FAE]  }
0x30: {  	s3 =	sld [smem:$0x3FB1]  }
0x31: {  	[smem:$0x3FBA] =	sst s10  }
0x32: {  	s10 =	sld [smem:$0x3FB8];
	_ =	sdelay $0x3  }
0x33: {  	p0 =	seq.s32 s10, $0x1;
	s10 =	sld [smem:$0x3FBA];
	_ =	sdelay $0x3  }
0x34: {  	[smem:$0x3FBA] =	sst s10  }
0x35: {  	s10 =	sld [smem:$0x3FB9];
	_ =	sdelay $0x3  }
0x36: {  	p1 =	seq.s32 s10, $0x1;
	s10 =	sld [smem:$0x3FBA];
	_ =	sdelay $0x3  }
0x37: {  	[smem:$0x3FBA] =	sst s10  }
0x38: {  	s10 =	sld [smem:$0x3FBB]  }
0x39: {  	_ = 	snop;
	(pc) =	sbr.ind lr, $3  }
0x3a: {  	_ = 	snop  }
0x3b: {  	_ = 	snop  }
0x3c: {  	p2 =	seq.s32 s10, $0x1;
	s10 =	sld [smem:$0x3FBA]  }
0x3d: {  	_ =	shalt  }
0x3e: {  	_ =	shalt  }
0x3f: {  	_ =	shalt  }
0x40: {  	_ =	shalt  }
0x41: {  	_ =	shalt  }
0x42: {  	_ =	shalt  }
0x43: {  	_ =	shalt  }
0x44: {  	_ =	shalt  }
0x45: {  	_ =	shalt  }
0x46: {  	_ =	shalt  }
0x47: {  	_ =	shalt  }
0x48: {  	_ =	shalt  }
0x49: {  	_ =	shalt  }
0x4a: {  	_ =	shalt  }
0x4b: {  	_ =	shalt  }
0x4c: {  	_ =	shalt  }
0x4d: {  	_ =	shalt  }
0x4e: {  	_ =	shalt  }
0x4f: {  	_ =	shalt  }
0x50: {  	_ =	shalt  }
0x51: {  	_ =	shalt  }
0x52: {  	_ =	shalt  }
0x53: {  	_ =	shalt  }
0x54: {  	_ =	shalt  }
0x55: {  	_ =	shalt  }
0x56: {  	_ =	shalt  }
0x57: {  	_ =	shalt  }
0x58: {  	_ =	shalt  }
0x59: {  	_ =	shalt  }
0x5a: {  	_ =	shalt  }
0x5b: {  	_ =	shalt  }
0x5c: {  	_ =	shalt  }
0x5d: {  	_ =	shalt  }
0x5e: {  	_ =	shalt  }
0x5f: {  	_ =	shalt  }
0x60: {  	_ =	shalt  }
0x61: {  	_ =	shalt  }
0x62: {  	_ =	shalt  }
0x63: {  	_ =	shalt  }
0x64: {  	_ =	shalt  }
0x65: {  	_ =	shalt  }
0x66: {  	_ =	shalt  }
0x67: {  	_ =	shalt  }
0x68: {  	_ =	shalt  }
0x69: {  	_ =	shalt  }
0x6a: {  	_ =	shalt  }
0x6b: {  	_ =	shalt  }
0x6c: {  	_ =	shalt  }
0x6d: {  	_ =	shalt  }
0x6e: {  	_ =	shalt  }
0x6f: {  	_ =	shalt  }
0x70: {  	_ =	shalt  }
0x71: {  	_ =	shalt  }
0x72: {  	_ =	shalt  }
0x73: {  	_ =	shalt  }
0x74: {  	_ =	shalt  }
0x75: {  	_ =	shalt  }
0x76: {  	_ =	shalt  }
0x77: {  	_ =	shalt  }
0x78: {  	_ =	shalt  }
0x79: {  	_ =	shalt  }
0x7a: {  	_ =	shalt  }
0x7b: {  	_ =	shalt  }
0x7c: {  	_ =	shalt  }
0x7d: {  	_ =	shalt  }
0x7e: {  	_ =	shalt  }
0x7f: {  	_ =	shalt  }
0x80: {  	_ =	shalt  }
0x81: {  	_ =	shalt  }
0x82: {  	_ =	shalt  }
0x83: {  	_ =	shalt  }
0x84: {  	_ =	shalt  }
0x85: {  	_ =	shalt  }
0x86: {  	_ =	shalt  }
0x87: {  	_ =	shalt  }
.Lfunc_end0:
.L_simem_size_0:
called_computation_lowered:
.L_overlay_start_0:
0x88: {  	s2 =	sld [smem:$0x3FD9]  }
0x89: {  	s3 =	sld [smem:$0x3FFE];
	_ =	sdelay $0x1  }
0x8a: {  	s1 =	srdreg.scid  }
0x8b: {  	s0 =	sand.u32 $0x1, s1  }
0x8c: {  	s16 =	sshll.u32 s0, $0xA;
	s2 =	sadd.s32 s3, s2  }
0x8d: {  	s2 =	sadd.s32 s2, s16  }
0x8e: {  	[smem:$0x3FC6] =	sst s2  }
0x8f: {  	_ = 	snop  }
0x90: {  	(tm) =	ssettm $0x1  }
0x91: {  	s17 =	sld [smem:$0x3FFB];
	_ =	sdelay $0x3  }
0x92: {  	_ =	strace s17  }
0x93: {  	s2 =	sld [smem:$0x3FFC];
	_ =	sdelay $0x3  }
0x94: {  	_ =	strace s2  }
0x95: {  	s2 =	sld [smem:$0x3FFD];
	_ =	sdelay $0x3  }
0x96: {  	_ =	strace s2  }
0x97: {  	_ =	strace $0x8FFFFFFF  }
0x98: {  	s18 =	sld [smem:$0x3FDB];
	_ =	sdelay $0x1  }
0x99: {  	s19 =	simm.s32 $_scs_section_size  }
0x9a: {  	s4 =	simm.s32 $_size__tile_overlayer_lowered;
	s5 =	simm.s32 $_tile_overlayer_lowered  }
0x9b: {  	s22 =	simm.s32 $0x1BFF;
	s21 =	sshll.u32 s5, $0x1;
	s2 =	sadd.s32 s19, s18  }
0x9c: {  	s6 =	simm.s32 $0x0;
	s20 =	sshll.u32 s4, $0x1;
	s4 =	sadd.s32 s21, s2  }
0x9d: {  	[timem:s6], [sflag:s22] =	dma.local [hbm:s4], s20  }
0x9e: {  	_ =	swait.ge [sflag:s22], s20  }
0x9f: {  	s3 =	ssub.s32 $0x0, s20;
	[sflag:s22] =	ssyncset.done $0x0  }
0xa0: {  	[sflag:s22] =	ssyncadd.s32 s3;
	_ =	sdelay $0x1  }
0xa1: {  	s23 =	simm.s32 $0x1B8B  }
0xa2: {  	_ =	swait.ge [sflag:s23], $0x1  }
0xa3: {  	[sflag:s23] =	ssyncset.done $0x0  }
0xa4: {  	s25 =	simm.s32 $0x1B8E;
	s24 =	sld [smem:$0x3FFE];
	[sflag:s23] =	ssyncadd.s32 $0xFFFFFFFF  }
0xa5: {  	s26 =	simm.s32 $execute0_lowered;
	[smem:$0x3FD2] =	sst s25  }
0xa6: {  	s4 =	sshll.u32 s26, $0x1;
	_ =	strace $0x80000046;
	[dreg:$0x1] =	wrdreg $0xFFFFFFFF  }
0xa7: {  	s28 =	simm.s32 $_size_execute0_lowered;
	s2 =	sadd.s32 s2, s4;
	[dreg:$0x0] =	wrdreg $0x0  }
0xa8: {  	s4 =	sshll.u32 s28, $0x1;
	[dreg:$0x2] =	wrdreg s2  }
0xa9: {  	[dreg:$0x3] =	wrdreg s4  }
0xaa: {  	[dreg:$0x4] =	wrdreg $0xC0  }
0xab: {  	_ =	task [dreg:s6], $0x5FFFF  }
0xac: {  	[dreg:$0x1] =	wrdreg $0xFFFFFFFF  }
0xad: {  	[dreg:$0x0] =	wrdreg $0x60  }
0xae: {  	[dreg:$0x2] =	wrdreg s24  }
0xaf: {  	[dreg:$0x3] =	wrdreg $0x0  }
0xb0: {  	[dreg:$0x4] =	wrdreg $0x9  }
0xb1: {  	_ =	task.clear_ibuf [dreg:s6], $0x5FFFF;
	_ =	strace $0x90000046  }
0xb2: {  	s29 =	simm.s32 $0x9;
	_ =	strace $0x80000048  }
0xb3: {  	_ =	swait.ge [sflag:s29], $0x1  }
0xb4: {  	[sflag:s29] =	ssyncadd.s32 $0xFFFFFFFF  }
0xb5: {  	_ =	strace $0x90000048  }
0xb6: {  	_ =	sfence  }
0xb7: {  	s30 =	sld [smem:$0x0];
	_ =	sdelay $0x2  }
0xb8: {  	s31 =	sshll.u32 s1, $0xD;
	s1 =	sshrl.u32 s1, $0x2  }
0xb9: {  	s3 =	sand.u32 $0x4000, s31;
	s1 =	sadd.s32 s1, s30  }
0xba: {  	s0 =	sor.u32 s3, s0;
	s1 =	sshll.u32 s1, $0x11  }
0xbb: {  	s0 =	sor.u32 s1, s0  }
0xbc: {  	s0 =	sadd.s32 $0x8F2B, s0  }
0xbd: {  	[sflag:s0] =	ssyncadd.remote.s32 $0x1  }
0xbe: {  	_ =	sfence.sel $0xFFFF  }
0xbf: {  	[dreg:$0x0] =	wrdreg $0xFFFFFFFF;
	(pc) =	sbr.abs _section_cstart, $3  }
0xc0: {  	[dreg:$0x1] =	wrdreg $0xFFFFFFFF  }
0xc1: {  	_ =	task.clear_ibuf [dreg:s6], $0x2FFFF;
	_ =	strace $0x9FFFFFFF  }
0xc2: {  	(tm) =	ssettm $0x7FFFFFFF  }
0xc3: {  	_ =	shalt  }
tec
execute0_lowered:
.L_overlay_start_1:
0x0: {  	(tag) =	ssettag $0x1  }
0x1: {  	v0 =	vlaneseq.u32  }
0x2: {  	s0 =	rddreg [dreg:$0x0];
	s1 =	srdreg.scid;
	v0 =	vmul.u32 $0x18, v0  }
0x3: {  	s8 =	stileid.u32;
	s2 =	rddreg [dreg:$0x1]  }
0x4: {  	s11 =	simm.s32 $0x1;
	s12 =	simm.s32 $0x3;
	s13 =	simm.s32 $0x50;
	v1 =	vor.u32 $0x1, v0  }
0x5: {  	s14 =	simm.s32 $0xEA60;
	s15 =	simm.s32 $0x11260;
	s16 =	simm.s32 $0xFE60;
	v2 =	vor.u32 $0x2, v0;
	v3 =	vor.u32 $0x3, v0;
	v4 =	vor.u32 $0x4, v0  }
0x6: {  	s17 =	simm.s32 $0x12660;
	s18 =	simm.s32 $0x16170;
	s19 =	simm.s32 $0x2;
	v5 =	vor.u32 $0x5, v0;
	v6 =	vor.u32 $0x6, v0;
	v7 =	vor.u32 $0x7, v0  }
0x7: {  	s20 =	simm.s32 $0x4;
	s21 =	simm.s32 $0x13A60;
	s22 =	simm.s32 $0x5;
	v8 =	vadd.s32 $0x8, v0;
	v9 =	vadd.s32 $0x9, v0;
	v10 =	vadd.s32 $0xA, v0  }
0x8: {  	s23 =	simm.s32 $0x0;
	s4 =	sand.u32 $0x1, s1;
	s3 =	sshll.u32 s8, $0x1;
	v11 =	vadd.s32 $0xB, v0;
	v12 =	vadd.s32 $0xC, v0;
	v13 =	vadd.s32 $0xD, v0  }
0x9: {  	s1 =	rddreg [dreg:$0x2];
	p0 =	sne.s32 s8, $0x0;
	s5 =	sor.u32 s4, s3;
	v14 =	vadd.s32 $0xE, v0;
	v15 =	vadd.s32 $0xF, v0;
	v16 =	vor.u32 $0x600, v0  }
0xa: {  	s8 =	simm.s32 $0x9C40;
	s3 =	simm.s32 $0x0;
	s5 =	smul.u32 $0x4E2, s5;
	v17 =	vor.u32 $0x601, v0;
	v18 =	vor.u32 $0x602, v0;
	v19 =	vor.u32 $0x603, v0  }
0xb: {  	s4 =	ssub.s32 $0x2, s4;
	s10 =	sshrl.u32 @!p0 s2, $0x3;
	[smem:$0x7FF] =	sst s3;
	v20 =	vor.u32 $0x604, v0;
	v21 =	vor.u32 $0x605, v0;
	v22 =	vor.u32 $0x606, v0  }
0xc: {  	s6 =	sshrl.u32 s4, $0x1;
	v23 =	vor.u32 $0x607, v0;
	v24 =	vadd.s32 $0x608, v0;
	v25 =	vadd.s32 $0x609, v0;
	_ =	strace $0x80000047;
	s7 =	sadd.s32 s5, s0  }
0xd: {  	v26 =	vadd.s32 $0x60A, v0;
	v27 =	vadd.s32 $0x60B, v0;
	v28 =	vadd.s32 $0x60C, v0;
	s9 =	ssub.s32 s4, s6;
	s4 =	sadd.s32 $0x1D800, s7;
	s5 =	sadd.s32 $0x13A00, s7  }
0xe: {  	v29 =	vadd.s32 $0x60D, v0;
	v30 =	vadd.s32 $0x60E, v0;
	v31 =	vadd.s32 $0x60F, v0;
	s6 =	sadd.s32 $0x27600, s7;
	s7 =	smax.u32 s9, $0x1;
	s9 =	simm.s32 $0xC350  }
.LBB2_1:
0xf: {  	[tilespmem:s8], [sflag:$0x1] =	stream.linear.gather [hbm4b:s4+s3], $0x2710, $0x38;
	[tilespmem:$0x168F0] =	vst v63  }
0x10: {  	s24 =	simm.s32 @!p0 $0x1C05  }
0x11: {  	[tilespmem:s9], [sflag:$0x3] =	stream.linear.gather [hbm4b:s5+s3], $0x2710, $0x38;
	[tilespmem:$0x168F0] =	vst v63  }
0x12: {  	[spmem:s10], [sflag:s24] =	dma.local @!p0 [hbm:s0], $0x13880  }
0x13: {  	s24 =	simm.s32 @!p0 $0x5  }
0x14: {  	_ =	swait.ge @!p0 [sflag:s24], $0x13880  }
0x15: {  	[sflag:s24] =	ssyncset.done @!p0 $0x0  }
0x16: {  	[sflag:s24] =	ssyncadd.s32 @!p0 $0xFFFEC780  }
0x17: {  	_ =	swait.ge [sflag:s11], $0x2710  }
0x18: {  	[sflag:s11] =	ssyncset.done $0x0  }
0x19: {  	[sflag:s11] =	ssyncadd.s32 $0xFFFFD8F0  }
0x1a: {  	_ =	swait.ge [sflag:s12], $0x2710  }
0x1b: {  	[sflag:s12] =	ssyncset.done $0x0  }
0x1c: {  	[sflag:s12] =	ssyncadd.s32 $0xFFFFD8F0  }
0x1d: {  	[bflag:$0x0] =	sbarrier.arrive $0xFFFF  }
0x1e: {  	[tilespmem:s14], [sflag:$0x1] =	stream.indirect.gather [spmem:s2], $0x40, s8, s13, $0xb8;
	[tilespmem:$0x168F0] =	vst v63  }
0x1f: {  	s24 =	simm.s32 $0x0  }
0x20: {  	[tilespmem:s15], [sflag:$0x3] =	stream.indirect.gather [spmem:s2], $0x40, s9, s13, $0xb8;
	[tilespmem:$0x168F0] =	vst v63  }
.LBB2_2:
0x21: {  	s25 =	sshllo.u32 s24, $0x1  }
0x22: {  	s26 =	smul.u32 $0x50, s25;
	_ =	sdelay $0x1  }
0x23: {  	s28 =	sadd.s32 $0x9C40, s26  }
0x24: {  	[tilespmem:s16], [sflag:$0x2] =	stream.indirect.gather [spmem:s2], $0x40, s28, s13, $0xb8;
	[tilespmem:$0x168F0] =	vst v63  }
0x25: {  	s26 =	sadd.s32 $0xC350, s26  }
0x26: {  	[tilespmem:s17], [sflag:$0x4] =	stream.indirect.gather [spmem:s2], $0x40, s26, s13, $0xb8;
	[tilespmem:$0x168F0] =	vst v63  }
0x27: {  	_ =	swait.ge [sflag:s11], $0x1400  }
0x28: {  	[sflag:s11] =	ssyncset.done $0x0  }
0x29: {  	[sflag:s11] =	ssyncadd.s32 $0xFFFFEC00  }
0x2a: {  	_ =	swait.ge [sflag:s12], $0x1400  }
0x2b: {  	[sflag:s12] =	ssyncset.done $0x0  }
0x2c: {  	s30 =	simm.s32 $0xEAE0;
	[sflag:s12] =	ssyncadd.s32 $0xFFFFEC00  }
0x2d: {  	s28 =	simm.s32 $0x112E0;
	v33 =	vld [tilespmem:s30+$0x40]  }
0x2e: {  	v34 =	vld [tilespmem:s28+$0x40]  }
0x2f: {  	v35 =	vld [tilespmem:s30+$0x50]  }
0x30: {  	v36 =	vld [tilespmem:s28+$0x50]  }
0x31: {  	v37 =	vld [tilespmem:s30+$0x60]  }
0x32: {  	v38 =	vld [tilespmem:s28+$0x60]  }
0x33: {  	v39 =	vld [tilespmem:s30+$0x70]  }
0x34: {  	v40 =	vld [tilespmem:s28+$0x70]  }
0x35: {  	v32 =	vld [tilespmem:s28+$0xFFFFFF80]  }
0x36: {  	v41 =	vld [tilespmem:s30+$0xFFFFFF90]  }
0x37: {  	v42 =	vld [tilespmem:s28+$0xFFFFFF90]  }
0x38: {  	v43 =	vld [tilespmem:s30+$0xFFFFFFA0]  }
0x39: {  	v44 =	vld [tilespmem:s28+$0xFFFFFFA0]  }
0x3a: {  	v45 =	vld [tilespmem:s30+$0xFFFFFFB0]  }
0x3b: {  	v47 =	vld [tilespmem:s30+$0xFFFFFFC0]  }
0x3c: {  	v48 =	vld [tilespmem:s28+$0xFFFFFFC0]  }
0x3d: {  	v49 =	vld [tilespmem:s30+$0xFFFFFFD0]  }
0x3e: {  	v50 =	vld [tilespmem:s28+$0xFFFFFFD0]  }
0x3f: {  	v51 =	vld [tilespmem:s30+$0xFFFFFFE0]  }
0x40: {  	v59 =	vld [tilespmem:s28+$0xFFFFFFE0]  }
0x41: {  	v62 =	vld [tilespmem:s30+$0xFFFFFFF0]  }
0x42: {  	v63 =	vld [tilespmem:s28+$0xFFFFFFF0];
	v33 =	vmul.bf16 v34, v33;
	v58 =	vmul.bf16 v36, v35  }
0x43: {  	v46 =	vld [tilespmem:s28+$0xFFFFFFB0];
	v60 =	vmul.bf16 v38, v37;
	v61 =	vmul.bf16 v40, v39  }
0x44: {  	v52 =	vld [tilespmem:s28+$0x0]  }
0x45: {  	v54 =	vld [tilespmem:s30+$0x10];
	v33 =	vadd.bf16 v58, v33;
	v37 =	vadd.bf16 v61, v60  }
0x46: {  	v57 =	vld [tilespmem:s28+$0x10];
	v53 =	vmul.bf16 v48, v47;
	v55 =	vmul.bf16 v50, v49  }
0x47: {  	v40 =	vld [tilespmem:s30+$0x0];
	v56 =	vmul.bf16 v59, v51;
	v38 =	vmul.bf16 v63, v62;
	v33 =	vadd.bf16 v37, v33  }
0x48: {  	v35 =	vld [tilespmem:s30+$0x20];
	v59 =	vmul.bf16 v44, v43;
	v60 =	vmul.bf16 v46, v45  }
0x49: {  	v62 =	vadd.bf16 v55, v53;
	v37 =	vld [tilespmem:s28+$0x20];
	v58 =	vunpack.i.u.bf16.f32 v33;
	v33 =	vunpack.i.l.bf16.f32 v33  }
0x4a: {  	v36 =	vld [tilespmem:s30+$0x30];
	v63 =	vadd.bf16 v38, v56;
	v61 =	vadd.f32 v33, v58  }
0x4b: {  	s26 =	simm.s32 $0x161A0;
	v38 =	vld [tilespmem:s28+$0x30];
	v34 =	vadd.bf16 v60, v59;
	v33 =	vmul.bf16 v42, v41  }
0x4c: {  	s29 =	simm.s32 $0x0;
	v39 =	vld [tilespmem:s30+$0xFFFFFF80];
	s30 =	simm.s32 $0xEBE0;
	v41 =	vmul.bf16 v52, v40;
	v40 =	vadd.bf16 v63, v62;
	v42 =	vmul.bf16 v57, v54;
	[tilespmem:s26+$0x18] =	vst v61  }
.LBB2_3:
0x4d: {  	v43 =	vld [tilespmem:s30+$0x40];
	s28 =	sadd.s32 $0x100, s28  }
0x4e: {  	v44 =	vld [tilespmem:s28+$0x40];
	v45 =	vunpack.i.u.bf16.f32 v40;
	v35 =	vmul.bf16 v37, v35;
	v37 =	vadd.bf16 v42, v41  }
0x4f: {  	v40 =	vunpack.i.l.bf16.f32 v40;
	v41 =	vld [tilespmem:s30+$0x50]  }
0x50: {  	v40 =	vadd.f32 v40, v45;
	v42 =	vld [tilespmem:s28+$0x50];
	v36 =	vmul.bf16 v38, v36  }
0x51: {  	v38 =	vld [tilespmem:s30+$0x60];
	v32 =	vmul.bf16 v32, v39  }
0x52: {  	v39 =	vld [tilespmem:s28+$0x60];
	[tilespmem:s26+$0xFFFFFFE8] =	vst v40;
	v35 =	vadd.bf16 v36, v35  }
0x53: {  	v36 =	vld [tilespmem:s30+$0x70];
	v33 =	vadd.bf16 v33, v32  }
0x54: {  	s29 =	sadd.s32 $0x4, s29;
	v40 =	vld [tilespmem:s28+$0x70];
	v35 =	vadd.bf16 v35, v37  }
0x55: {  	p1 =	slt.u32 s29, $0x4C;
	v32 =	vld [tilespmem:s28+$0xFFFFFF80];
	v33 =	vadd.bf16 v34, v33  }
0x56: {  	v34 =	vld [tilespmem:s30+$0xFFFFFF90];
	v37 =	vunpack.i.u.bf16.f32 v35;
	v35 =	vunpack.i.l.bf16.f32 v35  }
0x57: {  	v45 =	vld [tilespmem:s28+$0xFFFFFF90];
	v46 =	vunpack.i.u.bf16.f32 v33;
	v33 =	vunpack.i.l.bf16.f32 v33;
	v35 =	vadd.f32 v35, v37  }
0x58: {  	v43 =	vmul.bf16 v44, v43;
	v41 =	vmul.bf16 v42, v41;
	v37 =	vld [tilespmem:s30+$0xFFFFFFA0];
	v33 =	vadd.f32 v33, v46  }
0x59: {  	v38 =	vmul.bf16 v39, v38;
	v42 =	vld [tilespmem:s28+$0xFFFFFFA0];
	v36 =	vmul.bf16 v40, v36;
	[tilespmem:s26+$0x0] =	vst v35  }
0x5a: {  	v35 =	vld [tilespmem:s30+$0xFFFFFFB0];
	[tilespmem:s26+$0xFFFFFFD0] =	vst v33  }
0x5b: {  	v40 =	vadd.bf16 v41, v43;
	v39 =	vld [tilespmem:s28+$0xFFFFFFB0];
	v36 =	vadd.bf16 v36, v38  }
0x5c: {  	v33 =	vmul.bf16 v45, v34;
	v38 =	vld [tilespmem:s30+$0xFFFFFFC0]  }
0x5d: {  	v41 =	vld [tilespmem:s28+$0xFFFFFFC0];
	v34 =	vadd.bf16 v36, v40  }
0x5e: {  	v36 =	vmul.bf16 v42, v37;
	v37 =	vld [tilespmem:s30+$0xFFFFFFD0]  }
0x5f: {  	v40 =	vld [tilespmem:s28+$0xFFFFFFD0];
	v42 =	vunpack.i.u.bf16.f32 v34;
	v34 =	vunpack.i.l.bf16.f32 v34  }
0x60: {  	v35 =	vmul.bf16 v39, v35;
	v39 =	vld [tilespmem:s30+$0xFFFFFFE0];
	v42 =	vadd.f32 v34, v42  }
0x61: {  	s26 =	sadd.s32 $0x60, s26;
	v43 =	vld [tilespmem:s28+$0xFFFFFFE0]  }
0x62: {  	v34 =	vadd.bf16 v35, v36;
	v35 =	vmul.bf16 v41, v38;
	v36 =	vld [tilespmem:s30+$0xFFFFFFF0];
	[tilespmem:s26+$0x18] =	vst v42  }
0x63: {  	v38 =	vld [tilespmem:s28+$0xFFFFFFF0]  }
0x64: {  	v37 =	vmul.bf16 v40, v37;
	v40 =	vld [tilespmem:s30+$0x0]  }
0x65: {  	v41 =	vld [tilespmem:s28+$0x0]  }
0x66: {  	v39 =	vmul.bf16 v43, v39;
	v42 =	vadd.bf16 v37, v35;
	v43 =	vld [tilespmem:s30+$0x10]  }
0x67: {  	v44 =	vld [tilespmem:s28+$0x10]  }
.Ltmp0:
0x68: {  	v36 =	vmul.bf16 v38, v36;
	v35 =	vld [tilespmem:s30+$0x20];
	(pc) =	sbr.rel @p1 .LBB2_3-.Ltmp0, $4  }
0x69: {  	v37 =	vld [tilespmem:s28+$0x20]  }
0x6a: {  	v45 =	vadd.bf16 v36, v39;
	v41 =	vmul.bf16 v41, v40;
	v36 =	vld [tilespmem:s30+$0x30]  }
0x6b: {  	v38 =	vld [tilespmem:s28+$0x30]  }
0x6c: {  	v39 =	vld [tilespmem:s30+$0xFFFFFF80];
	v40 =	vadd.bf16 v45, v42;
	v42 =	vmul.bf16 v44, v43;
	s30 =	sadd.s32 $0x100, s30  }
0x6d: {  	_ =	sdelay $0x2  }
0x6e: {  	v35 =	vmul.bf16 v37, v35;
	v36 =	vmul.bf16 v38, v36  }
0x6f: {  	v32 =	vmul.bf16 v32, v39  }
0x70: {  	v57 =	vadd.bf16 v42, v41;
	v35 =	vadd.bf16 v36, v35  }
0x71: {  	v32 =	vadd.bf16 v33, v32  }
0x72: {  	v58 =	vadd.bf16 v35, v57  }
0x73: {  	v59 =	vunpack.i.u.bf16.f32 v40;
	v60 =	vunpack.i.l.bf16.f32 v40;
	v32 =	vadd.bf16 v34, v32  }
0x74: {  	v61 =	vadd.f32 v60, v59;
	v62 =	vunpack.i.u.bf16.f32 v58;
	v33 =	vunpack.i.l.bf16.f32 v58  }
0x75: {  	v63 =	vunpack.i.u.bf16.f32 v32;
	v32 =	vunpack.i.l.bf16.f32 v32;
	v33 =	vadd.f32 v33, v62  }
0x76: {  	s31 =	smul.u32 $0x280, s24;
	[tilespmem:s26+$0xFFFFFFE8] =	vst v61;
	v32 =	vadd.f32 v32, v63  }
0x77: {  	[tilespmem:s26+$0x0] =	vst v33  }
0x78: {  	[tilespmem:s26+$0xFFFFFFD0] =	vst v32;
	s26 =	sshra.s32 s31, $0x2  }
0x79: {  	s29 =	sadd.s32 $0x13A60, s26  }
0x7a: {  	s28 =	simm.s32 $0x0;
	p1 =	por $0x1, $0x1;
	v32 =	vmov s29  }
.LBB2_5:
0x7b: {  	v33 =	vmov s28;
	s29 =	sor.u32 $0x10, s28  }
0x7c: {  	v33 =	vmul.u32 $0x18, v33;
	v34 =	vmov s29  }
0x7d: {  	v34 =	vmul.u32 $0x18, v34  }
0x7e: {  	v33 =	vbroadcast v33, $0x0  }
0x7f: {  	v34 =	vbroadcast v34, $0x0  }
0x80: {  	v35 =	vadd.s32 v0, v33  }
0x81: {  	v36 =	vadd.s32 v0, v34  }
0x82: {  	v37 =	vadd.s32 v1, v33  }
0x83: {  	v38 =	vadd.s32 v1, v34  }
0x84: {  	v39 =	vadd.s32 v2, v33  }
0x85: {  	v40 =	vadd.s32 v2, v34;
	v35 =	vld.idx.msk [tilespmem:v35+s18+$0x0], $0xffff  }
0x86: {  	v41 =	vadd.s32 v3, v33;
	v36 =	vld.idx.msk [tilespmem:v36+s18+$0x0], $0xffff  }
0x87: {  	v42 =	vadd.s32 v3, v34;
	v37 =	vld.idx.msk [tilespmem:v37+s18+$0x0], $0xffff  }
0x88: {  	v43 =	vadd.s32 v4, v33;
	v38 =	vld.idx.msk [tilespmem:v38+s18+$0x0], $0xffff  }
0x89: {  	v44 =	vadd.s32 v4, v34;
	v39 =	vld.idx.msk [tilespmem:v39+s18+$0x0], $0xffff  }
0x8a: {  	v45 =	vadd.s32 v5, v33;
	v40 =	vld.idx.msk [tilespmem:v40+s18+$0x0], $0xffff;
	v35 =	vadd.f32 $0.0e+00, v35  }
0x8b: {  	v46 =	vadd.s32 v5, v34;
	v41 =	vld.idx.msk [tilespmem:v41+s18+$0x0], $0xffff;
	v36 =	vadd.f32 $0.0e+00, v36  }
0x8c: {  	v59 =	vadd.s32 v6, v33;
	v42 =	vld.idx.msk [tilespmem:v42+s18+$0x0], $0xffff;
	v35 =	vadd.f32 v37, v35  }
0x8d: {  	v60 =	vadd.s32 v6, v34;
	v43 =	vld.idx.msk [tilespmem:v43+s18+$0x0], $0xffff;
	v36 =	vadd.f32 v38, v36  }
0x8e: {  	v61 =	vadd.s32 v7, v33;
	v44 =	vld.idx.msk [tilespmem:v44+s18+$0x0], $0xffff;
	v35 =	vadd.f32 v39, v35  }
0x8f: {  	v62 =	vadd.s32 v7, v34;
	v45 =	vld.idx.msk [tilespmem:v45+s18+$0x0], $0xffff;
	v36 =	vadd.f32 v40, v36  }
0x90: {  	v63 =	vadd.s32 v8, v33;
	v46 =	vld.idx.msk [tilespmem:v46+s18+$0x0], $0xffff;
	v35 =	vadd.f32 v41, v35  }
0x91: {  	v48 =	vadd.s32 v8, v34;
	v37 =	vld.idx.msk [tilespmem:v59+s18+$0x0], $0xffff;
	v36 =	vadd.f32 v42, v36  }
0x92: {  	v49 =	vadd.s32 v9, v33;
	v38 =	vld.idx.msk [tilespmem:v60+s18+$0x0], $0xffff;
	v35 =	vadd.f32 v43, v35  }
0x93: {  	v50 =	vadd.s32 v9, v34;
	v39 =	vld.idx.msk [tilespmem:v61+s18+$0x0], $0xffff;
	v36 =	vadd.f32 v44, v36  }
0x94: {  	v51 =	vadd.s32 v10, v33;
	v40 =	vld.idx.msk [tilespmem:v62+s18+$0x0], $0xffff;
	v35 =	vadd.f32 v45, v35  }
0x95: {  	v52 =	vadd.s32 v10, v34;
	v41 =	vld.idx.msk [tilespmem:v63+s18+$0x0], $0xffff;
	v36 =	vadd.f32 v46, v36  }
0x96: {  	v53 =	vadd.s32 v11, v33;
	v42 =	vld.idx.msk [tilespmem:v48+s18+$0x0], $0xffff;
	v35 =	vadd.f32 v37, v35  }
0x97: {  	v54 =	vadd.s32 v11, v34;
	v43 =	vld.idx.msk [tilespmem:v49+s18+$0x0], $0xffff;
	v36 =	vadd.f32 v38, v36  }
0x98: {  	v55 =	vadd.s32 v12, v33;
	v44 =	vld.idx.msk [tilespmem:v50+s18+$0x0], $0xffff;
	v35 =	vadd.f32 v39, v35  }
0x99: {  	v56 =	vadd.s32 v12, v34;
	v45 =	vld.idx.msk [tilespmem:v51+s18+$0x0], $0xffff;
	v36 =	vadd.f32 v40, v36  }
0x9a: {  	v57 =	vadd.s32 v13, v33;
	v46 =	vld.idx.msk [tilespmem:v52+s18+$0x0], $0xffff;
	v35 =	vadd.f32 v41, v35  }
0x9b: {  	v58 =	vadd.s32 v13, v34;
	v37 =	vld.idx.msk [tilespmem:v53+s18+$0x0], $0xffff;
	v36 =	vadd.f32 v42, v36  }
0x9c: {  	v59 =	vadd.s32 v14, v33;
	v38 =	vld.idx.msk [tilespmem:v54+s18+$0x0], $0xffff;
	v35 =	vadd.f32 v43, v35  }
0x9d: {  	v60 =	vadd.s32 v14, v34;
	v39 =	vld.idx.msk [tilespmem:v55+s18+$0x0], $0xffff;
	v36 =	vadd.f32 v44, v36  }
0x9e: {  	v33 =	vadd.s32 v15, v33;
	v40 =	vld.idx.msk [tilespmem:v56+s18+$0x0], $0xffff;
	v35 =	vadd.f32 v45, v35  }
0x9f: {  	v34 =	vadd.s32 v15, v34;
	v41 =	vld.idx.msk [tilespmem:v57+s18+$0x0], $0xffff;
	v36 =	vadd.f32 v46, v36  }
0xa0: {  	v61 =	vld.idx.msk [tilespmem:v58+s18+$0x0], $0xffff;
	v35 =	vadd.f32 v37, v35  }
0xa1: {  	v62 =	vld.idx.msk [tilespmem:v59+s18+$0x0], $0xffff;
	v36 =	vadd.f32 v38, v36  }
0xa2: {  	v63 =	vld.idx.msk [tilespmem:v60+s18+$0x0], $0xffff;
	v35 =	vadd.f32 v39, v35  }
0xa3: {  	v33 =	vld.idx.msk [tilespmem:v33+s18+$0x0], $0xffff;
	v36 =	vadd.f32 v40, v36  }
0xa4: {  	v34 =	vld.idx.msk [tilespmem:v34+s18+$0x0], $0xffff;
	v35 =	vadd.f32 v41, v35  }
0xa5: {  	v36 =	vadd.f32 v61, v36  }
0xa6: {  	p2 =	por p1, p1;
	v35 =	vadd.f32 v62, v35  }
.Ltmp1:
0xa7: {  	v36 =	vadd.f32 v63, v36;
	(pc) =	sbr.rel @p2 .LBB2_5-.Ltmp1, $4  }
0xa8: {  	v33 =	vadd.f32 v33, v35  }
0xa9: {  	v34 =	vadd.f32 v34, v36  }
0xaa: {  	[tilespmem:v32+s28+$0x0 ss:$0x1] =	vst.idx.msk $0xffff, v33  }
0xab: {  	p1 =	por $0x0, $0x0;
	s28 =	simm.s32 $0x20;
	[tilespmem:v32+s29+$0x0 ss:$0x1] =	vst.idx.msk $0xffff, v34  }
0xac: {  	_ =	sdelay $0x3  }
0xad: {  	v32 =	vld.idx.msk [tilespmem:v16+s18+$0x0], $0xffff;
	_ =	sdelay $0x1  }
0xae: {  	v33 =	vld.idx.msk [tilespmem:v17+s18+$0x0], $0xffff;
	_ =	sdelay $0x1  }
0xaf: {  	v34 =	vld.idx.msk [tilespmem:v18+s18+$0x0], $0xffff  }
0xb0: {  	v32 =	vadd.f32 $0.0e+00, v32  }
0xb1: {  	v35 =	vld.idx.msk [tilespmem:v19+s18+$0x0], $0xffff  }
0xb2: {  	v32 =	vadd.f32 v33, v32  }
0xb3: {  	v43 =	vld.idx.msk [tilespmem:v20+s18+$0x0], $0xffff  }
0xb4: {  	v32 =	vadd.f32 v34, v32  }
0xb5: {  	v44 =	vld.idx.msk [tilespmem:v21+s18+$0x0], $0xffff  }
0xb6: {  	v32 =	vadd.f32 v35, v32  }
0xb7: {  	v45 =	vld.idx.msk [tilespmem:v22+s18+$0x0], $0xffff  }
0xb8: {  	v32 =	vadd.f32 v43, v32  }
0xb9: {  	v46 =	vld.idx.msk [tilespmem:v23+s18+$0x0], $0xffff  }
0xba: {  	v32 =	vadd.f32 v44, v32  }
0xbb: {  	v47 =	vld.idx.msk [tilespmem:v24+s18+$0x0], $0xffff  }
0xbc: {  	v32 =	vadd.f32 v45, v32  }
0xbd: {  	v48 =	vld.idx.msk [tilespmem:v25+s18+$0x0], $0xffff  }
0xbe: {  	v32 =	vadd.f32 v46, v32  }
0xbf: {  	v49 =	vld.idx.msk [tilespmem:v26+s18+$0x0], $0xffff  }
0xc0: {  	v32 =	vadd.f32 v47, v32  }
0xc1: {  	v50 =	vld.idx.msk [tilespmem:v27+s18+$0x0], $0xffff  }
0xc2: {  	v32 =	vadd.f32 v48, v32  }
0xc3: {  	v51 =	vld.idx.msk [tilespmem:v28+s18+$0x0], $0xffff  }
0xc4: {  	v32 =	vadd.f32 v49, v32  }
0xc5: {  	v52 =	vld.idx.msk [tilespmem:v29+s18+$0x0], $0xffff  }
0xc6: {  	v32 =	vadd.f32 v50, v32  }
0xc7: {  	v53 =	vld.idx.msk [tilespmem:v30+s18+$0x0], $0xffff  }
0xc8: {  	v32 =	vadd.f32 v51, v32  }
0xc9: {  	v54 =	vld.idx.msk [tilespmem:v31+s18+$0x0], $0xffff  }
0xca: {  	v32 =	vadd.f32 v52, v32;
	_ =	sdelay $0x1  }
0xcb: {  	v32 =	vadd.f32 v53, v32;
	_ =	sdelay $0x1  }
0xcc: {  	s28 =	smul.u32 $0xA0, s24;
	v32 =	vadd.f32 v54, v32;
	_ =	sdelay $0x1  }
0xcd: {  	s31 =	sadd.s32 $0x9CE0, s28;
	[tilespmem:s26+$0x13AA0] =	vst v32  }
0xce: {  	[tilespmem:s14], [sflag:$0x1] =	stream.indirect.gather [spmem:s2], $0x40, s31, s13, $0xb8;
	[tilespmem:$0x168F0] =	vst v63  }
0xcf: {  	s31 =	sadd.s32 $0xC3F0, s28  }
0xd0: {  	[tilespmem:s15], [sflag:$0x3] =	stream.indirect.gather [spmem:s2], $0x40, s31, s13, $0xb8;
	[tilespmem:$0x168F0] =	vst v63  }
0xd1: {  	_ =	swait.ge [sflag:s19], $0x1400  }
0xd2: {  	[sflag:s19] =	ssyncset.done $0x0  }
0xd3: {  	[sflag:s19] =	ssyncadd.s32 $0xFFFFEC00  }
0xd4: {  	_ =	swait.ge [sflag:s20], $0x1400  }
0xd5: {  	[sflag:s20] =	ssyncset.done $0x0  }
0xd6: {  	s30 =	simm.s32 $0xFEE0;
	[sflag:s20] =	ssyncadd.s32 $0xFFFFEC00  }
0xd7: {  	s28 =	simm.s32 $0x126E0;
	v55 =	vld [tilespmem:s30+$0x40]  }
0xd8: {  	v56 =	vld [tilespmem:s28+$0x40]  }
0xd9: {  	v57 =	vld [tilespmem:s30+$0x50]  }
0xda: {  	v36 =	vld [tilespmem:s28+$0x50]  }
0xdb: {  	v37 =	vld [tilespmem:s30+$0x60]  }
0xdc: {  	v38 =	vld [tilespmem:s28+$0x60]  }
0xdd: {  	v39 =	vld [tilespmem:s30+$0x70]  }
0xde: {  	v40 =	vld [tilespmem:s28+$0x70]  }
0xdf: {  	v32 =	vld [tilespmem:s28+$0xFFFFFF80]  }
0xe0: {  	v41 =	vld [tilespmem:s30+$0xFFFFFF90]  }
0xe1: {  	v42 =	vld [tilespmem:s28+$0xFFFFFF90]  }
0xe2: {  	v43 =	vld [tilespmem:s30+$0xFFFFFFA0]  }
0xe3: {  	v44 =	vld [tilespmem:s28+$0xFFFFFFA0]  }
0xe4: {  	v45 =	vld [tilespmem:s30+$0xFFFFFFB0]  }
0xe5: {  	v47 =	vld [tilespmem:s30+$0xFFFFFFC0]  }
0xe6: {  	v48 =	vld [tilespmem:s28+$0xFFFFFFC0]  }
0xe7: {  	v49 =	vld [tilespmem:s30+$0xFFFFFFD0]  }
0xe8: {  	v50 =	vld [tilespmem:s28+$0xFFFFFFD0]  }
0xe9: {  	v51 =	vld [tilespmem:s30+$0xFFFFFFE0]  }
0xea: {  	v59 =	vld [tilespmem:s28+$0xFFFFFFE0]  }
0xeb: {  	v62 =	vld [tilespmem:s30+$0xFFFFFFF0]  }
0xec: {  	v63 =	vld [tilespmem:s28+$0xFFFFFFF0];
	v33 =	vmul.bf16 v56, v55;
	v58 =	vmul.bf16 v36, v57  }
0xed: {  	v46 =	vld [tilespmem:s28+$0xFFFFFFB0];
	v60 =	vmul.bf16 v38, v37;
	v61 =	vmul.bf16 v40, v39  }
0xee: {  	v52 =	vld [tilespmem:s28+$0x0]  }
0xef: {  	v54 =	vld [tilespmem:s30+$0x10];
	v33 =	vadd.bf16 v58, v33;
	v37 =	vadd.bf16 v61, v60  }
0xf0: {  	v40 =	vld [tilespmem:s30+$0x0];
	v53 =	vmul.bf16 v48, v47;
	v55 =	vmul.bf16 v50, v49  }
0xf1: {  	v56 =	vmul.bf16 v59, v51;
	v57 =	vld [tilespmem:s28+$0x10];
	v38 =	vmul.bf16 v63, v62;
	v33 =	vadd.bf16 v37, v33  }
0xf2: {  	v35 =	vld [tilespmem:s30+$0x20];
	v59 =	vmul.bf16 v44, v43;
	v60 =	vmul.bf16 v46, v45  }
0xf3: {  	v62 =	vadd.bf16 v55, v53;
	v37 =	vld [tilespmem:s28+$0x20];
	v58 =	vunpack.i.u.bf16.f32 v33;
	v33 =	vunpack.i.l.bf16.f32 v33  }
0xf4: {  	v36 =	vld [tilespmem:s30+$0x30];
	v63 =	vadd.bf16 v38, v56;
	v61 =	vadd.f32 v33, v58  }
0xf5: {  	s26 =	simm.s32 $0x161A0;
	v38 =	vld [tilespmem:s28+$0x30];
	v34 =	vadd.bf16 v60, v59;
	v33 =	vmul.bf16 v42, v41  }
0xf6: {  	s29 =	simm.s32 $0x0;
	v39 =	vld [tilespmem:s30+$0xFFFFFF80];
	s30 =	simm.s32 $0xFFE0;
	v41 =	vmul.bf16 v52, v40;
	v40 =	vadd.bf16 v63, v62;
	v42 =	vmul.bf16 v57, v54;
	[tilespmem:s26+$0x18] =	vst v61  }
.LBB2_7:
0xf7: {  	v43 =	vld [tilespmem:s30+$0x40];
	s28 =	sadd.s32 $0x100, s28  }
0xf8: {  	v44 =	vld [tilespmem:s28+$0x40];
	v45 =	vunpack.i.u.bf16.f32 v40;
	v35 =	vmul.bf16 v37, v35;
	v37 =	vadd.bf16 v42, v41  }
0xf9: {  	v40 =	vunpack.i.l.bf16.f32 v40;
	v41 =	vld [tilespmem:s30+$0x50]  }
0xfa: {  	v40 =	vadd.f32 v40, v45;
	v42 =	vld [tilespmem:s28+$0x50];
	v36 =	vmul.bf16 v38, v36  }
0xfb: {  	v38 =	vld [tilespmem:s30+$0x60];
	v32 =	vmul.bf16 v32, v39  }
0xfc: {  	v39 =	vld [tilespmem:s28+$0x60];
	[tilespmem:s26+$0xFFFFFFE8] =	vst v40;
	v35 =	vadd.bf16 v36, v35  }
0xfd: {  	v36 =	vld [tilespmem:s30+$0x70];
	v33 =	vadd.bf16 v33, v32  }
0xfe: {  	s29 =	sadd.s32 $0x4, s29;
	v40 =	vld [tilespmem:s28+$0x70];
	v35 =	vadd.bf16 v35, v37  }
0xff: {  	p1 =	slt.u32 s29, $0x4C;
	v32 =	vld [tilespmem:s28+$0xFFFFFF80];
	v33 =	vadd.bf16 v34, v33  }
0x100: {  	v34 =	vld [tilespmem:s30+$0xFFFFFF90];
	v37 =	vunpack.i.u.bf16.f32 v35;
	v35 =	vunpack.i.l.bf16.f32 v35  }
0x101: {  	v45 =	vld [tilespmem:s28+$0xFFFFFF90];
	v46 =	vunpack.i.u.bf16.f32 v33;
	v33 =	vunpack.i.l.bf16.f32 v33;
	v35 =	vadd.f32 v35, v37  }
0x102: {  	v43 =	vmul.bf16 v44, v43;
	v41 =	vmul.bf16 v42, v41;
	v37 =	vld [tilespmem:s30+$0xFFFFFFA0];
	v33 =	vadd.f32 v33, v46  }
0x103: {  	v38 =	vmul.bf16 v39, v38;
	v42 =	vld [tilespmem:s28+$0xFFFFFFA0];
	v36 =	vmul.bf16 v40, v36;
	[tilespmem:s26+$0x0] =	vst v35  }
0x104: {  	v35 =	vld [tilespmem:s30+$0xFFFFFFB0];
	[tilespmem:s26+$0xFFFFFFD0] =	vst v33  }
0x105: {  	v40 =	vadd.bf16 v41, v43;
	v39 =	vld [tilespmem:s28+$0xFFFFFFB0];
	v36 =	vadd.bf16 v36, v38  }
0x106: {  	v33 =	vmul.bf16 v45, v34;
	v38 =	vld [tilespmem:s30+$0xFFFFFFC0]  }
0x107: {  	v41 =	vld [tilespmem:s28+$0xFFFFFFC0];
	v34 =	vadd.bf16 v36, v40  }
0x108: {  	v36 =	vmul.bf16 v42, v37;
	v37 =	vld [tilespmem:s30+$0xFFFFFFD0]  }
0x109: {  	v40 =	vld [tilespmem:s28+$0xFFFFFFD0];
	v42 =	vunpack.i.u.bf16.f32 v34;
	v34 =	vunpack.i.l.bf16.f32 v34  }
0x10a: {  	v35 =	vmul.bf16 v39, v35;
	v39 =	vld [tilespmem:s30+$0xFFFFFFE0];
	v42 =	vadd.f32 v34, v42  }
0x10b: {  	s26 =	sadd.s32 $0x60, s26;
	v43 =	vld [tilespmem:s28+$0xFFFFFFE0]  }
0x10c: {  	v34 =	vadd.bf16 v35, v36;
	v35 =	vmul.bf16 v41, v38;
	v36 =	vld [tilespmem:s30+$0xFFFFFFF0];
	[tilespmem:s26+$0x18] =	vst v42  }
0x10d: {  	v38 =	vld [tilespmem:s28+$0xFFFFFFF0]  }
0x10e: {  	v37 =	vmul.bf16 v40, v37;
	v40 =	vld [tilespmem:s30+$0x0]  }
0x10f: {  	v41 =	vld [tilespmem:s28+$0x0]  }
0x110: {  	v39 =	vmul.bf16 v43, v39;
	v42 =	vadd.bf16 v37, v35;
	v43 =	vld [tilespmem:s30+$0x10]  }
0x111: {  	v44 =	vld [tilespmem:s28+$0x10]  }
.Ltmp2:
0x112: {  	v36 =	vmul.bf16 v38, v36;
	v35 =	vld [tilespmem:s30+$0x20];
	(pc) =	sbr.rel @p1 .LBB2_7-.Ltmp2, $4  }
0x113: {  	v37 =	vld [tilespmem:s28+$0x20]  }
0x114: {  	v45 =	vadd.bf16 v36, v39;
	v41 =	vmul.bf16 v41, v40;
	v36 =	vld [tilespmem:s30+$0x30]  }
0x115: {  	v38 =	vld [tilespmem:s28+$0x30]  }
0x116: {  	v39 =	vld [tilespmem:s30+$0xFFFFFF80];
	v40 =	vadd.bf16 v45, v42;
	v42 =	vmul.bf16 v44, v43;
	s30 =	sadd.s32 $0x100, s30  }
0x117: {  	_ =	sdelay $0x2  }
0x118: {  	v35 =	vmul.bf16 v37, v35;
	v36 =	vmul.bf16 v38, v36  }
0x119: {  	v32 =	vmul.bf16 v32, v39  }
0x11a: {  	v57 =	vadd.bf16 v42, v41;
	v35 =	vadd.bf16 v36, v35  }
0x11b: {  	v32 =	vadd.bf16 v33, v32  }
0x11c: {  	v58 =	vadd.bf16 v35, v57  }
0x11d: {  	v59 =	vunpack.i.u.bf16.f32 v40;
	v60 =	vunpack.i.l.bf16.f32 v40;
	v32 =	vadd.bf16 v34, v32  }
0x11e: {  	s25 =	smul.u32 $0x140, s25;
	v61 =	vadd.f32 v60, v59;
	v62 =	vunpack.i.u.bf16.f32 v58;
	v33 =	vunpack.i.l.bf16.f32 v58  }
0x11f: {  	v63 =	vunpack.i.u.bf16.f32 v32;
	v32 =	vunpack.i.l.bf16.f32 v32;
	v33 =	vadd.f32 v33, v62  }
0x120: {  	s25 =	sshra.s32 s25, $0x2;
	[tilespmem:s26+$0xFFFFFFE8] =	vst v61;
	v32 =	vadd.f32 v32, v63  }
0x121: {  	s28 =	sadd.s32 $0x13A60, s25;
	[tilespmem:s26+$0x0] =	vst v33  }
0x122: {  	p1 =	por $0x1, $0x1;
	[tilespmem:s26+$0xFFFFFFD0] =	vst v32;
	s26 =	simm.s32 $0x0;
	v32 =	vmov s28  }
.LBB2_9:
0x123: {  	v33 =	vmov s26;
	s28 =	sor.u32 $0x10, s26  }
0x124: {  	v33 =	vmul.u32 $0x18, v33;
	v34 =	vmov s28  }
0x125: {  	v34 =	vmul.u32 $0x18, v34  }
0x126: {  	v33 =	vbroadcast v33, $0x0  }
0x127: {  	v34 =	vbroadcast v34, $0x0  }
0x128: {  	v35 =	vadd.s32 v0, v33  }
0x129: {  	v36 =	vadd.s32 v0, v34  }
0x12a: {  	v37 =	vadd.s32 v1, v33  }
0x12b: {  	v38 =	vadd.s32 v1, v34  }
0x12c: {  	v39 =	vadd.s32 v2, v33  }
0x12d: {  	v40 =	vadd.s32 v2, v34;
	v35 =	vld.idx.msk [tilespmem:v35+s18+$0x0], $0xffff  }
0x12e: {  	v41 =	vadd.s32 v3, v33;
	v36 =	vld.idx.msk [tilespmem:v36+s18+$0x0], $0xffff  }
0x12f: {  	v42 =	vadd.s32 v3, v34;
	v37 =	vld.idx.msk [tilespmem:v37+s18+$0x0], $0xffff  }
0x130: {  	v43 =	vadd.s32 v4, v33;
	v38 =	vld.idx.msk [tilespmem:v38+s18+$0x0], $0xffff  }
0x131: {  	v44 =	vadd.s32 v4, v34;
	v39 =	vld.idx.msk [tilespmem:v39+s18+$0x0], $0xffff  }
0x132: {  	v45 =	vadd.s32 v5, v33;
	v40 =	vld.idx.msk [tilespmem:v40+s18+$0x0], $0xffff;
	v35 =	vadd.f32 $0.0e+00, v35  }
0x133: {  	v46 =	vadd.s32 v5, v34;
	v41 =	vld.idx.msk [tilespmem:v41+s18+$0x0], $0xffff;
	v36 =	vadd.f32 $0.0e+00, v36  }
0x134: {  	v59 =	vadd.s32 v6, v33;
	v42 =	vld.idx.msk [tilespmem:v42+s18+$0x0], $0xffff;
	v35 =	vadd.f32 v37, v35  }
0x135: {  	v60 =	vadd.s32 v6, v34;
	v43 =	vld.idx.msk [tilespmem:v43+s18+$0x0], $0xffff;
	v36 =	vadd.f32 v38, v36  }
0x136: {  	v61 =	vadd.s32 v7, v33;
	v44 =	vld.idx.msk [tilespmem:v44+s18+$0x0], $0xffff;
	v35 =	vadd.f32 v39, v35  }
0x137: {  	v62 =	vadd.s32 v7, v34;
	v45 =	vld.idx.msk [tilespmem:v45+s18+$0x0], $0xffff;
	v36 =	vadd.f32 v40, v36  }
0x138: {  	v63 =	vadd.s32 v8, v33;
	v46 =	vld.idx.msk [tilespmem:v46+s18+$0x0], $0xffff;
	v35 =	vadd.f32 v41, v35  }
0x139: {  	v48 =	vadd.s32 v8, v34;
	v37 =	vld.idx.msk [tilespmem:v59+s18+$0x0], $0xffff;
	v36 =	vadd.f32 v42, v36  }
0x13a: {  	v49 =	vadd.s32 v9, v33;
	v38 =	vld.idx.msk [tilespmem:v60+s18+$0x0], $0xffff;
	v35 =	vadd.f32 v43, v35  }
0x13b: {  	v50 =	vadd.s32 v9, v34;
	v39 =	vld.idx.msk [tilespmem:v61+s18+$0x0], $0xffff;
	v36 =	vadd.f32 v44, v36  }
0x13c: {  	v51 =	vadd.s32 v10, v33;
	v40 =	vld.idx.msk [tilespmem:v62+s18+$0x0], $0xffff;
	v35 =	vadd.f32 v45, v35  }
0x13d: {  	v52 =	vadd.s32 v10, v34;
	v41 =	vld.idx.msk [tilespmem:v63+s18+$0x0], $0xffff;
	v36 =	vadd.f32 v46, v36  }
0x13e: {  	v53 =	vadd.s32 v11, v33;
	v42 =	vld.idx.msk [tilespmem:v48+s18+$0x0], $0xffff;
	v35 =	vadd.f32 v37, v35  }
0x13f: {  	v54 =	vadd.s32 v11, v34;
	v43 =	vld.idx.msk [tilespmem:v49+s18+$0x0], $0xffff;
	v36 =	vadd.f32 v38, v36  }
0x140: {  	v55 =	vadd.s32 v12, v33;
	v44 =	vld.idx.msk [tilespmem:v50+s18+$0x0], $0xffff;
	v35 =	vadd.f32 v39, v35  }
0x141: {  	v56 =	vadd.s32 v12, v34;
	v45 =	vld.idx.msk [tilespmem:v51+s18+$0x0], $0xffff;
	v36 =	vadd.f32 v40, v36  }
0x142: {  	v57 =	vadd.s32 v13, v33;
	v46 =	vld.idx.msk [tilespmem:v52+s18+$0x0], $0xffff;
	v35 =	vadd.f32 v41, v35  }
0x143: {  	v58 =	vadd.s32 v13, v34;
	v37 =	vld.idx.msk [tilespmem:v53+s18+$0x0], $0xffff;
	v36 =	vadd.f32 v42, v36  }
0x144: {  	v59 =	vadd.s32 v14, v33;
	v38 =	vld.idx.msk [tilespmem:v54+s18+$0x0], $0xffff;
	v35 =	vadd.f32 v43, v35  }
0x145: {  	v60 =	vadd.s32 v14, v34;
	v39 =	vld.idx.msk [tilespmem:v55+s18+$0x0], $0xffff;
	v36 =	vadd.f32 v44, v36  }
0x146: {  	v33 =	vadd.s32 v15, v33;
	v40 =	vld.idx.msk [tilespmem:v56+s18+$0x0], $0xffff;
	v35 =	vadd.f32 v45, v35  }
0x147: {  	v34 =	vadd.s32 v15, v34;
	v41 =	vld.idx.msk [tilespmem:v57+s18+$0x0], $0xffff;
	v36 =	vadd.f32 v46, v36  }
0x148: {  	v61 =	vld.idx.msk [tilespmem:v58+s18+$0x0], $0xffff;
	v35 =	vadd.f32 v37, v35  }
0x149: {  	v62 =	vld.idx.msk [tilespmem:v59+s18+$0x0], $0xffff;
	v36 =	vadd.f32 v38, v36  }
0x14a: {  	v63 =	vld.idx.msk [tilespmem:v60+s18+$0x0], $0xffff;
	v35 =	vadd.f32 v39, v35  }
0x14b: {  	v33 =	vld.idx.msk [tilespmem:v33+s18+$0x0], $0xffff;
	v36 =	vadd.f32 v40, v36  }
0x14c: {  	v34 =	vld.idx.msk [tilespmem:v34+s18+$0x0], $0xffff;
	v35 =	vadd.f32 v41, v35  }
0x14d: {  	v36 =	vadd.f32 v61, v36  }
0x14e: {  	p2 =	por p1, p1;
	v35 =	vadd.f32 v62, v35  }
.Ltmp3:
0x14f: {  	v36 =	vadd.f32 v63, v36;
	(pc) =	sbr.rel @p2 .LBB2_9-.Ltmp3, $4  }
0x150: {  	v33 =	vadd.f32 v33, v35  }
0x151: {  	v34 =	vadd.f32 v34, v36  }
0x152: {  	[tilespmem:v32+s26+$0x0 ss:$0x1] =	vst.idx.msk $0xffff, v33  }
0x153: {  	p1 =	por $0x0, $0x0;
	s26 =	simm.s32 $0x20;
	[tilespmem:v32+s28+$0x0 ss:$0x1] =	vst.idx.msk $0xffff, v34  }
0x154: {  	_ =	sdelay $0x3  }
0x155: {  	v32 =	vld.idx.msk [tilespmem:v16+s18+$0x0], $0xffff;
	_ =	sdelay $0x1  }
0x156: {  	v33 =	vld.idx.msk [tilespmem:v17+s18+$0x0], $0xffff;
	_ =	sdelay $0x1  }
0x157: {  	v34 =	vld.idx.msk [tilespmem:v18+s18+$0x0], $0xffff  }
0x158: {  	v32 =	vadd.f32 $0.0e+00, v32  }
0x159: {  	v35 =	vld.idx.msk [tilespmem:v19+s18+$0x0], $0xffff  }
0x15a: {  	v32 =	vadd.f32 v33, v32  }
0x15b: {  	v52 =	vld.idx.msk [tilespmem:v20+s18+$0x0], $0xffff  }
0x15c: {  	v32 =	vadd.f32 v34, v32  }
0x15d: {  	v53 =	vld.idx.msk [tilespmem:v21+s18+$0x0], $0xffff  }
0x15e: {  	v32 =	vadd.f32 v35, v32  }
0x15f: {  	v54 =	vld.idx.msk [tilespmem:v22+s18+$0x0], $0xffff  }
0x160: {  	v32 =	vadd.f32 v52, v32  }
0x161: {  	v55 =	vld.idx.msk [tilespmem:v23+s18+$0x0], $0xffff  }
0x162: {  	v32 =	vadd.f32 v53, v32  }
0x163: {  	v56 =	vld.idx.msk [tilespmem:v24+s18+$0x0], $0xffff  }
0x164: {  	v32 =	vadd.f32 v54, v32  }
0x165: {  	v57 =	vld.idx.msk [tilespmem:v25+s18+$0x0], $0xffff  }
0x166: {  	v32 =	vadd.f32 v55, v32  }
0x167: {  	v58 =	vld.idx.msk [tilespmem:v26+s18+$0x0], $0xffff  }
0x168: {  	v32 =	vadd.f32 v56, v32  }
0x169: {  	v59 =	vld.idx.msk [tilespmem:v27+s18+$0x0], $0xffff  }
0x16a: {  	v32 =	vadd.f32 v57, v32  }
0x16b: {  	v60 =	vld.idx.msk [tilespmem:v28+s18+$0x0], $0xffff  }
0x16c: {  	v32 =	vadd.f32 v58, v32  }
0x16d: {  	v61 =	vld.idx.msk [tilespmem:v29+s18+$0x0], $0xffff  }
0x16e: {  	v32 =	vadd.f32 v59, v32  }
0x16f: {  	v62 =	vld.idx.msk [tilespmem:v30+s18+$0x0], $0xffff  }
0x170: {  	v32 =	vadd.f32 v60, v32  }
0x171: {  	v63 =	vld.idx.msk [tilespmem:v31+s18+$0x0], $0xffff  }
0x172: {  	s24 =	sadd.s32 $0x1, s24;
	v32 =	vadd.f32 v61, v32  }
0x173: {  	p1 =	sne.s32 s24, $0x3E  }
.Ltmp4:
0x174: {  	v32 =	vadd.f32 v62, v32;
	(pc) =	sbr.rel @p1 .LBB2_2-.Ltmp4, $3  }
0x175: {  	_ = 	snop  }
0x176: {  	v32 =	vadd.f32 v63, v32;
	_ =	sdelay $0x1  }
0x177: {  	[tilespmem:s25+$0x13AA0] =	vst v32  }
0x178: {  	_ =	swait.ge [sflag:s11], $0x1400  }
0x179: {  	[sflag:s11] =	ssyncset.done $0x0  }
0x17a: {  	[sflag:s11] =	ssyncadd.s32 $0xFFFFEC00  }
0x17b: {  	_ =	swait.ge [sflag:s12], $0x1400  }
0x17c: {  	[sflag:s12] =	ssyncset.done $0x0  }
0x17d: {  	s25 =	simm.s32 $0xEAE0;
	[sflag:s12] =	ssyncadd.s32 $0xFFFFEC00  }
0x17e: {  	s24 =	simm.s32 $0x112E0;
	v33 =	vld [tilespmem:s25+$0x40]  }
0x17f: {  	v34 =	vld [tilespmem:s24+$0x40]  }
0x180: {  	v35 =	vld [tilespmem:s25+$0x50]  }
0x181: {  	v36 =	vld [tilespmem:s24+$0x50]  }
0x182: {  	v37 =	vld [tilespmem:s25+$0x60]  }
0x183: {  	v38 =	vld [tilespmem:s24+$0x60]  }
0x184: {  	v39 =	vld [tilespmem:s25+$0x70]  }
0x185: {  	v40 =	vld [tilespmem:s24+$0x70]  }
0x186: {  	v32 =	vld [tilespmem:s24+$0xFFFFFF80]  }
0x187: {  	v41 =	vld [tilespmem:s25+$0xFFFFFF90]  }
0x188: {  	v42 =	vld [tilespmem:s24+$0xFFFFFF90]  }
0x189: {  	v43 =	vld [tilespmem:s25+$0xFFFFFFA0]  }
0x18a: {  	v44 =	vld [tilespmem:s24+$0xFFFFFFA0]  }
0x18b: {  	v45 =	vld [tilespmem:s25+$0xFFFFFFB0]  }
0x18c: {  	v47 =	vld [tilespmem:s25+$0xFFFFFFC0]  }
0x18d: {  	v48 =	vld [tilespmem:s24+$0xFFFFFFC0]  }
0x18e: {  	v49 =	vld [tilespmem:s25+$0xFFFFFFD0]  }
0x18f: {  	v50 =	vld [tilespmem:s24+$0xFFFFFFD0]  }
0x190: {  	v51 =	vld [tilespmem:s25+$0xFFFFFFE0]  }
0x191: {  	v59 =	vld [tilespmem:s24+$0xFFFFFFE0]  }
0x192: {  	v62 =	vld [tilespmem:s25+$0xFFFFFFF0]  }
0x193: {  	v63 =	vld [tilespmem:s24+$0xFFFFFFF0];
	v33 =	vmul.bf16 v34, v33;
	v58 =	vmul.bf16 v36, v35  }
0x194: {  	v46 =	vld [tilespmem:s24+$0xFFFFFFB0];
	v60 =	vmul.bf16 v38, v37;
	v61 =	vmul.bf16 v40, v39  }
0x195: {  	v52 =	vld [tilespmem:s24+$0x0]  }
0x196: {  	v54 =	vld [tilespmem:s25+$0x10];
	v33 =	vadd.bf16 v58, v33;
	v37 =	vadd.bf16 v61, v60  }
0x197: {  	v57 =	vld [tilespmem:s24+$0x10];
	v53 =	vmul.bf16 v48, v47;
	v55 =	vmul.bf16 v50, v49  }
0x198: {  	v40 =	vld [tilespmem:s25+$0x0];
	v56 =	vmul.bf16 v59, v51;
	v38 =	vmul.bf16 v63, v62;
	v33 =	vadd.bf16 v37, v33  }
0x199: {  	v35 =	vld [tilespmem:s25+$0x20];
	v59 =	vmul.bf16 v44, v43;
	v60 =	vmul.bf16 v46, v45  }
0x19a: {  	v62 =	vadd.bf16 v55, v53;
	v37 =	vld [tilespmem:s24+$0x20];
	v58 =	vunpack.i.u.bf16.f32 v33;
	v33 =	vunpack.i.l.bf16.f32 v33  }
0x19b: {  	v36 =	vld [tilespmem:s25+$0x30];
	v63 =	vadd.bf16 v38, v56;
	v61 =	vadd.f32 v33, v58  }
0x19c: {  	s26 =	simm.s32 $0x161A0;
	v38 =	vld [tilespmem:s24+$0x30];
	v34 =	vadd.bf16 v60, v59;
	v33 =	vmul.bf16 v42, v41  }
0x19d: {  	s28 =	simm.s32 $0x0;
	s29 =	simm.s32 $0xEBE0;
	v39 =	vld [tilespmem:s25+$0xFFFFFF80];
	v41 =	vmul.bf16 v52, v40;
	v40 =	vadd.bf16 v63, v62;
	v42 =	vmul.bf16 v57, v54;
	[tilespmem:s26+$0x18] =	vst v61  }
.LBB2_12:
0x19e: {  	v43 =	vld [tilespmem:s29+$0x40];
	s24 =	sadd.s32 $0x100, s24  }
0x19f: {  	v44 =	vld [tilespmem:s24+$0x40];
	v45 =	vunpack.i.u.bf16.f32 v40;
	v35 =	vmul.bf16 v37, v35;
	v37 =	vadd.bf16 v42, v41  }
0x1a0: {  	v40 =	vunpack.i.l.bf16.f32 v40;
	v41 =	vld [tilespmem:s29+$0x50]  }
0x1a1: {  	v40 =	vadd.f32 v40, v45;
	v42 =	vld [tilespmem:s24+$0x50];
	v36 =	vmul.bf16 v38, v36  }
0x1a2: {  	v38 =	vld [tilespmem:s29+$0x60];
	v32 =	vmul.bf16 v32, v39  }
0x1a3: {  	v39 =	vld [tilespmem:s24+$0x60];
	[tilespmem:s26+$0xFFFFFFE8] =	vst v40;
	v35 =	vadd.bf16 v36, v35  }
0x1a4: {  	v36 =	vld [tilespmem:s29+$0x70];
	v33 =	vadd.bf16 v33, v32  }
0x1a5: {  	s28 =	sadd.s32 $0x4, s28;
	v40 =	vld [tilespmem:s24+$0x70];
	v35 =	vadd.bf16 v35, v37  }
0x1a6: {  	p2 =	slt.u32 s28, $0x4C;
	v32 =	vld [tilespmem:s24+$0xFFFFFF80];
	v33 =	vadd.bf16 v34, v33  }
0x1a7: {  	v34 =	vld [tilespmem:s29+$0xFFFFFF90];
	v37 =	vunpack.i.u.bf16.f32 v35;
	v35 =	vunpack.i.l.bf16.f32 v35  }
0x1a8: {  	v45 =	vld [tilespmem:s24+$0xFFFFFF90];
	v46 =	vunpack.i.u.bf16.f32 v33;
	v33 =	vunpack.i.l.bf16.f32 v33;
	v35 =	vadd.f32 v35, v37  }
0x1a9: {  	v43 =	vmul.bf16 v44, v43;
	v41 =	vmul.bf16 v42, v41;
	v37 =	vld [tilespmem:s29+$0xFFFFFFA0];
	v33 =	vadd.f32 v33, v46  }
0x1aa: {  	v38 =	vmul.bf16 v39, v38;
	v42 =	vld [tilespmem:s24+$0xFFFFFFA0];
	v36 =	vmul.bf16 v40, v36;
	[tilespmem:s26+$0x0] =	vst v35  }
0x1ab: {  	v35 =	vld [tilespmem:s29+$0xFFFFFFB0];
	[tilespmem:s26+$0xFFFFFFD0] =	vst v33  }
0x1ac: {  	v40 =	vadd.bf16 v41, v43;
	v39 =	vld [tilespmem:s24+$0xFFFFFFB0];
	v36 =	vadd.bf16 v36, v38  }
0x1ad: {  	v33 =	vmul.bf16 v45, v34;
	v38 =	vld [tilespmem:s29+$0xFFFFFFC0]  }
0x1ae: {  	v41 =	vld [tilespmem:s24+$0xFFFFFFC0];
	v34 =	vadd.bf16 v36, v40  }
0x1af: {  	v36 =	vmul.bf16 v42, v37;
	v37 =	vld [tilespmem:s29+$0xFFFFFFD0]  }
0x1b0: {  	v40 =	vld [tilespmem:s24+$0xFFFFFFD0];
	v42 =	vunpack.i.u.bf16.f32 v34;
	v34 =	vunpack.i.l.bf16.f32 v34  }
0x1b1: {  	v35 =	vmul.bf16 v39, v35;
	v39 =	vld [tilespmem:s29+$0xFFFFFFE0];
	v42 =	vadd.f32 v34, v42  }
0x1b2: {  	s26 =	sadd.s32 $0x60, s26;
	v43 =	vld [tilespmem:s24+$0xFFFFFFE0]  }
0x1b3: {  	s25 =	simm.s32 $0x0;
	p1 =	por $0x1, $0x1;
	v34 =	vadd.bf16 v35, v36;
	v35 =	vmul.bf16 v41, v38;
	v36 =	vld [tilespmem:s29+$0xFFFFFFF0];
	[tilespmem:s26+$0x18] =	vst v42  }
0x1b4: {  	v38 =	vld [tilespmem:s24+$0xFFFFFFF0]  }
0x1b5: {  	v37 =	vmul.bf16 v40, v37;
	v40 =	vld [tilespmem:s29+$0x0]  }
0x1b6: {  	v41 =	vld [tilespmem:s24+$0x0]  }
0x1b7: {  	v39 =	vmul.bf16 v43, v39;
	v42 =	vadd.bf16 v37, v35;
	v43 =	vld [tilespmem:s29+$0x10]  }
0x1b8: {  	v44 =	vld [tilespmem:s24+$0x10]  }
.Ltmp5:
0x1b9: {  	v36 =	vmul.bf16 v38, v36;
	v35 =	vld [tilespmem:s29+$0x20];
	(pc) =	sbr.rel @p2 .LBB2_12-.Ltmp5, $4  }
0x1ba: {  	v37 =	vld [tilespmem:s24+$0x20]  }
0x1bb: {  	v45 =	vadd.bf16 v36, v39;
	v41 =	vmul.bf16 v41, v40;
	v36 =	vld [tilespmem:s29+$0x30]  }
0x1bc: {  	v38 =	vld [tilespmem:s24+$0x30]  }
0x1bd: {  	v39 =	vld [tilespmem:s29+$0xFFFFFF80];
	v40 =	vadd.bf16 v45, v42;
	v42 =	vmul.bf16 v44, v43;
	s29 =	sadd.s32 $0x100, s29  }
0x1be: {  	_ =	sdelay $0x2  }
0x1bf: {  	v35 =	vmul.bf16 v37, v35;
	v36 =	vmul.bf16 v38, v36  }
0x1c0: {  	v32 =	vmul.bf16 v32, v39  }
0x1c1: {  	v57 =	vadd.bf16 v42, v41;
	v35 =	vadd.bf16 v36, v35  }
0x1c2: {  	v32 =	vadd.bf16 v33, v32  }
0x1c3: {  	v58 =	vadd.bf16 v35, v57  }
0x1c4: {  	v59 =	vunpack.i.u.bf16.f32 v40;
	v60 =	vunpack.i.l.bf16.f32 v40;
	v32 =	vadd.bf16 v34, v32  }
0x1c5: {  	v61 =	vadd.f32 v60, v59;
	v62 =	vunpack.i.u.bf16.f32 v58;
	v33 =	vunpack.i.l.bf16.f32 v58  }
0x1c6: {  	v63 =	vunpack.i.u.bf16.f32 v32;
	v32 =	vunpack.i.l.bf16.f32 v32;
	v33 =	vadd.f32 v33, v62  }
0x1c7: {  	[tilespmem:s26+$0xFFFFFFE8] =	vst v61;
	v32 =	vadd.f32 v32, v63  }
0x1c8: {  	[tilespmem:s26+$0x0] =	vst v33  }
0x1c9: {  	[tilespmem:s26+$0xFFFFFFD0] =	vst v32  }
.LBB2_14:
0x1ca: {  	v32 =	vmov s25;
	s24 =	sor.u32 $0x10, s25  }
0x1cb: {  	v32 =	vmul.u32 $0x18, v32;
	v33 =	vmov s24  }
0x1cc: {  	v33 =	vmul.u32 $0x18, v33  }
0x1cd: {  	v32 =	vbroadcast v32, $0x0  }
0x1ce: {  	v33 =	vbroadcast v33, $0x0  }
0x1cf: {  	v34 =	vadd.s32 v0, v32  }
0x1d0: {  	v35 =	vadd.s32 v0, v33  }
0x1d1: {  	v36 =	vadd.s32 v1, v32  }
0x1d2: {  	v37 =	vadd.s32 v1, v33  }
0x1d3: {  	v38 =	vadd.s32 v2, v32  }
0x1d4: {  	v39 =	vadd.s32 v2, v33;
	v34 =	vld.idx.msk [tilespmem:v34+s18+$0x0], $0xffff  }
0x1d5: {  	v40 =	vadd.s32 v3, v32;
	v35 =	vld.idx.msk [tilespmem:v35+s18+$0x0], $0xffff  }
0x1d6: {  	v41 =	vadd.s32 v3, v33;
	v36 =	vld.idx.msk [tilespmem:v36+s18+$0x0], $0xffff  }
0x1d7: {  	v42 =	vadd.s32 v4, v32;
	v37 =	vld.idx.msk [tilespmem:v37+s18+$0x0], $0xffff  }
0x1d8: {  	v43 =	vadd.s32 v4, v33;
	v38 =	vld.idx.msk [tilespmem:v38+s18+$0x0], $0xffff  }
0x1d9: {  	v44 =	vadd.s32 v5, v32;
	v39 =	vld.idx.msk [tilespmem:v39+s18+$0x0], $0xffff;
	v34 =	vadd.f32 $0.0e+00, v34  }
0x1da: {  	v45 =	vadd.s32 v5, v33;
	v40 =	vld.idx.msk [tilespmem:v40+s18+$0x0], $0xffff;
	v35 =	vadd.f32 $0.0e+00, v35  }
0x1db: {  	v59 =	vadd.s32 v6, v32;
	v41 =	vld.idx.msk [tilespmem:v41+s18+$0x0], $0xffff;
	v34 =	vadd.f32 v36, v34  }
0x1dc: {  	v60 =	vadd.s32 v6, v33;
	v42 =	vld.idx.msk [tilespmem:v42+s18+$0x0], $0xffff;
	v35 =	vadd.f32 v37, v35  }
0x1dd: {  	v61 =	vadd.s32 v7, v32;
	v43 =	vld.idx.msk [tilespmem:v43+s18+$0x0], $0xffff;
	v34 =	vadd.f32 v38, v34  }
0x1de: {  	v62 =	vadd.s32 v7, v33;
	v44 =	vld.idx.msk [tilespmem:v44+s18+$0x0], $0xffff;
	v35 =	vadd.f32 v39, v35  }
0x1df: {  	v63 =	vadd.s32 v8, v32;
	v45 =	vld.idx.msk [tilespmem:v45+s18+$0x0], $0xffff;
	v34 =	vadd.f32 v40, v34  }
0x1e0: {  	v48 =	vadd.s32 v8, v33;
	v36 =	vld.idx.msk [tilespmem:v59+s18+$0x0], $0xffff;
	v35 =	vadd.f32 v41, v35  }
0x1e1: {  	v49 =	vadd.s32 v9, v32;
	v37 =	vld.idx.msk [tilespmem:v60+s18+$0x0], $0xffff;
	v34 =	vadd.f32 v42, v34  }
0x1e2: {  	v50 =	vadd.s32 v9, v33;
	v38 =	vld.idx.msk [tilespmem:v61+s18+$0x0], $0xffff;
	v35 =	vadd.f32 v43, v35  }
0x1e3: {  	v51 =	vadd.s32 v10, v32;
	v39 =	vld.idx.msk [tilespmem:v62+s18+$0x0], $0xffff;
	v34 =	vadd.f32 v44, v34  }
0x1e4: {  	v52 =	vadd.s32 v10, v33;
	v40 =	vld.idx.msk [tilespmem:v63+s18+$0x0], $0xffff;
	v35 =	vadd.f32 v45, v35  }
0x1e5: {  	v53 =	vadd.s32 v11, v32;
	v41 =	vld.idx.msk [tilespmem:v48+s18+$0x0], $0xffff;
	v34 =	vadd.f32 v36, v34  }
0x1e6: {  	v54 =	vadd.s32 v11, v33;
	v42 =	vld.idx.msk [tilespmem:v49+s18+$0x0], $0xffff;
	v35 =	vadd.f32 v37, v35  }
0x1e7: {  	v55 =	vadd.s32 v12, v32;
	v43 =	vld.idx.msk [tilespmem:v50+s18+$0x0], $0xffff;
	v34 =	vadd.f32 v38, v34  }
0x1e8: {  	v56 =	vadd.s32 v12, v33;
	v44 =	vld.idx.msk [tilespmem:v51+s18+$0x0], $0xffff;
	v35 =	vadd.f32 v39, v35  }
0x1e9: {  	v57 =	vadd.s32 v13, v32;
	v45 =	vld.idx.msk [tilespmem:v52+s18+$0x0], $0xffff;
	v34 =	vadd.f32 v40, v34  }
0x1ea: {  	v58 =	vadd.s32 v13, v33;
	v36 =	vld.idx.msk [tilespmem:v53+s18+$0x0], $0xffff;
	v35 =	vadd.f32 v41, v35  }
0x1eb: {  	v59 =	vadd.s32 v14, v32;
	v37 =	vld.idx.msk [tilespmem:v54+s18+$0x0], $0xffff;
	v34 =	vadd.f32 v42, v34  }
0x1ec: {  	v60 =	vadd.s32 v14, v33;
	v38 =	vld.idx.msk [tilespmem:v55+s18+$0x0], $0xffff;
	v35 =	vadd.f32 v43, v35  }
0x1ed: {  	v32 =	vadd.s32 v15, v32;
	v39 =	vld.idx.msk [tilespmem:v56+s18+$0x0], $0xffff;
	v34 =	vadd.f32 v44, v34  }
0x1ee: {  	v33 =	vadd.s32 v15, v33;
	v40 =	vld.idx.msk [tilespmem:v57+s18+$0x0], $0xffff;
	v35 =	vadd.f32 v45, v35  }
0x1ef: {  	v61 =	vld.idx.msk [tilespmem:v58+s18+$0x0], $0xffff;
	v34 =	vadd.f32 v36, v34  }
0x1f0: {  	v62 =	vld.idx.msk [tilespmem:v59+s18+$0x0], $0xffff;
	v35 =	vadd.f32 v37, v35  }
0x1f1: {  	v63 =	vld.idx.msk [tilespmem:v60+s18+$0x0], $0xffff;
	v34 =	vadd.f32 v38, v34  }
0x1f2: {  	v32 =	vld.idx.msk [tilespmem:v32+s18+$0x0], $0xffff;
	v35 =	vadd.f32 v39, v35  }
0x1f3: {  	v33 =	vld.idx.msk [tilespmem:v33+s18+$0x0], $0xffff;
	v34 =	vadd.f32 v40, v34  }
0x1f4: {  	v35 =	vadd.f32 v61, v35  }
0x1f5: {  	p2 =	por p1, p1;
	v34 =	vadd.f32 v62, v34  }
.Ltmp6:
0x1f6: {  	v35 =	vadd.f32 v63, v35;
	(pc) =	sbr.rel @p2 .LBB2_14-.Ltmp6, $4  }
0x1f7: {  	v32 =	vadd.f32 v32, v34  }
0x1f8: {  	v33 =	vadd.f32 v33, v35  }
0x1f9: {  	[tilespmem:s25+$0x16120] =	vst v32  }
0x1fa: {  	p1 =	por $0x0, $0x0;
	[tilespmem:s25+$0x16130] =	vst v33;
	s25 =	simm.s32 $0x20  }
0x1fb: {  	_ =	sdelay $0x3  }
0x1fc: {  	v32 =	vld.idx.msk [tilespmem:v16+s18+$0x0], $0xffff;
	_ =	sdelay $0x1  }
0x1fd: {  	v33 =	vld.idx.msk [tilespmem:v17+s18+$0x0], $0xffff;
	_ =	sdelay $0x1  }
0x1fe: {  	v34 =	vld.idx.msk [tilespmem:v18+s18+$0x0], $0xffff  }
0x1ff: {  	v32 =	vadd.f32 $0.0e+00, v32  }
0x200: {  	v35 =	vld.idx.msk [tilespmem:v19+s18+$0x0], $0xffff  }
0x201: {  	v32 =	vadd.f32 v33, v32  }
0x202: {  	v52 =	vld.idx.msk [tilespmem:v20+s18+$0x0], $0xffff  }
0x203: {  	v32 =	vadd.f32 v34, v32  }
0x204: {  	v53 =	vld.idx.msk [tilespmem:v21+s18+$0x0], $0xffff  }
0x205: {  	v32 =	vadd.f32 v35, v32  }
0x206: {  	v54 =	vld.idx.msk [tilespmem:v22+s18+$0x0], $0xffff  }
0x207: {  	v32 =	vadd.f32 v52, v32  }
0x208: {  	v55 =	vld.idx.msk [tilespmem:v23+s18+$0x0], $0xffff  }
0x209: {  	v32 =	vadd.f32 v53, v32  }
0x20a: {  	v56 =	vld.idx.msk [tilespmem:v24+s18+$0x0], $0xffff  }
0x20b: {  	v32 =	vadd.f32 v54, v32  }
0x20c: {  	v57 =	vld.idx.msk [tilespmem:v25+s18+$0x0], $0xffff  }
0x20d: {  	v32 =	vadd.f32 v55, v32  }
0x20e: {  	v58 =	vld.idx.msk [tilespmem:v26+s18+$0x0], $0xffff  }
0x20f: {  	v32 =	vadd.f32 v56, v32  }
0x210: {  	v59 =	vld.idx.msk [tilespmem:v27+s18+$0x0], $0xffff  }
0x211: {  	v32 =	vadd.f32 v57, v32  }
0x212: {  	v60 =	vld.idx.msk [tilespmem:v28+s18+$0x0], $0xffff  }
0x213: {  	v32 =	vadd.f32 v58, v32  }
0x214: {  	v61 =	vld.idx.msk [tilespmem:v29+s18+$0x0], $0xffff  }
0x215: {  	v32 =	vadd.f32 v59, v32  }
0x216: {  	v62 =	vld.idx.msk [tilespmem:v30+s18+$0x0], $0xffff  }
0x217: {  	v32 =	vadd.f32 v60, v32  }
0x218: {  	v63 =	vld.idx.msk [tilespmem:v31+s18+$0x0], $0xffff  }
0x219: {  	v32 =	vadd.f32 v61, v32;
	_ =	sdelay $0x1  }
0x21a: {  	v32 =	vadd.f32 v62, v32;
	_ =	sdelay $0x1  }
0x21b: {  	s23 =	sadd.s32 $0x1, s23;
	v32 =	vadd.f32 v63, v32  }
0x21c: {  	p1 =	sne.s32 s23, s7  }
.Ltmp7:
0x21d: {  	[tilespmem:$0x16160] =	vst v32;
	(pc) =	sbr.rel @p1 .LBB2_1-.Ltmp7, $4  }
0x21e: {  	[hbm4b:s6+s3] =	stream.linear.scatter [tilespmem:s21], [sflag:$0x5], $0x2710, $0x38;
	[tilespmem:$0x168F0] =	vst v63  }
0x21f: {  	_ =	swait.ge [sflag:s22], $0x2710  }
0x220: {  	[sflag:s22] =	ssyncset.done $0x0  }
0x221: {  	[sflag:s22] =	ssyncadd.s32 $0xFFFFD8F0  }
0x222: {  	_ =	sfence.sel $0x180000  }
0x223: {  	[bflag:$0x0] =	sbarrier.arrive $0xFFFF  }
0x224: {  	_ =	strace $0x90000047  }
0x225: {  	s0 =	sadd.s32 @!p0 $0x100000, s1;
	[bflag:$0x2] =	sbarrier.arrive $0xFFFF  }
0x226: {  	[sflag:s0] =	ssyncadd.tile.s32 @!p0 $0x1;
	_ =	shalt  }
.Lfunc_end2:
_tile_overlayer_lowered:
.L_overlay_start_2:
0x227: {  	(tag) =	ssettag $0x2  }
0x228: {  	s0 =	rddreg [dreg:$0x0];
	s2 =	stileid.u32  }
0x229: {  	s1 =	rddreg [dreg:$0x1];
	p0 =	sne.s32 s2, $0x0  }
0x22a: {  	s3 =	rddreg [dreg:$0x2];
	[bflag:$0x3] =	sbarrier.arrive $0xFFFF;
	s2 =	simm.s32 @!p0 $0x1C05  }
0x22b: {  	[timem:s3], [sflag:s2] =	dma.local @!p0 [hbm:s0], s1  }
0x22c: {  	s0 =	simm.s32 @!p0 $0x5  }
0x22d: {  	_ =	swait.ge @!p0 [sflag:s0], s1  }
0x22e: {  	s1 =	ssub.s32 @!p0 $0x0, s1;
	[sflag:s0] =	ssyncset.done @!p0 $0x0  }
0x22f: {  	[sflag:s0] =	ssyncadd.s32 @!p0 s1  }
0x230: {  	[bflag:$0x3] =	sbarrier.arrive $0xFFFF  }
0x231: {  	_ =	shalt  }

</sc_bundles>
